<compile_context>
chip_gen: v7x
topology: tpu7x:2x2x1
jax: 0.10.2.dev20260603
libtpu: 0.0.44.dev20260713+nightly
codegen_flags: <defaults>
</compile_context>

<pallas_src>
import functools

import jax
import jax.numpy as jnp
from jax import lax
from jax.experimental import pallas as pl
from jax.experimental.pallas import tpu as pltpu
from jax.experimental.pallas import tpu_sc as plsc

NC = 2
NS = 16
NW = NC * NS
L = 16

B = 64
TB = 16
DCHUNKS = 8
ACC_W = 144


def _sc_edge_pass(n_ent, d, e, ent_emb, rel_emb, src, dst, rid, zeros):
    rows_per_tile = n_ent // NS
    epw = e // NW
    nblk = (epw - TB) // B
    assert nblk * B + TB == epw

    mesh = plsc.VectorSubcoreMesh(core_axis_name="c", subcore_axis_name="s")

    @functools.partial(
        pl.kernel,
        mesh=mesh,
        compiler_params=pltpu.CompilerParams(
            use_tc_tiling_on_sc=False, needs_layout_passes=False),
        out_type=jax.ShapeDtypeStruct((NC, n_ent, ACC_W), jnp.float32),
        scratch_types=[
            pltpu.VMEM((B,), jnp.int32),
            pltpu.VMEM((B,), jnp.int32),
            pltpu.VMEM((B,), jnp.int32),
            pltpu.VMEM((B, 128), jnp.float32),
            pltpu.VMEM((B, 128), jnp.float32),
            pltpu.VMEM((B, 128), jnp.float32),
            pltpu.VMEM((B, ACC_W), jnp.float32),
            pltpu.VMEM_SHARED((n_ent, ACC_W), jnp.float32),
            pltpu.SemaphoreType.DMA,
        ],
    )
    def sc_kernel(ent_hbm, rel_hbm, src_hbm, dst_hbm, rid_hbm, zeros_hbm,
                  part_hbm, sidx_v, didx_v, ridx_v, srow_v, rrow_v, drow_v,
                  msg_v, acc_sh, sem):
        cid = lax.axis_index("c")
        sid = lax.axis_index("s")
        wid = sid * NC + cid

        pltpu.sync_copy(zeros_hbm, acc_sh.at[pl.ds(sid * rows_per_tile,
                                                   rows_per_tile)])
        plsc.subcore_barrier()

        ebase = wid * epw
        lane0 = lax.iota(jnp.int32, L) == 0

        def do_block(base, nrows):
            pltpu.sync_copy(src_hbm.at[pl.ds(base, nrows)],
                            sidx_v.at[pl.ds(0, nrows)])
            pltpu.sync_copy(dst_hbm.at[pl.ds(base, nrows)],
                            didx_v.at[pl.ds(0, nrows)])
            pltpu.sync_copy(rid_hbm.at[pl.ds(base, nrows)],
                            ridx_v.at[pl.ds(0, nrows)])

            sl_rows = pl.ds(0, nrows)
            c1 = pltpu.async_copy(ent_hbm.at[sidx_v.at[sl_rows]],
                                  srow_v.at[sl_rows], sem)
            c2 = pltpu.async_copy(rel_hbm.at[ridx_v.at[sl_rows]],
                                  rrow_v.at[sl_rows], sem)
            c3 = pltpu.async_copy(ent_hbm.at[didx_v.at[sl_rows]],
                                  drow_v.at[sl_rows], sem)
            c1.wait()
            c2.wait()
            c3.wait()

            @pl.loop(0, nrows)
            def _row(r):
                acc = jnp.zeros((L,), jnp.float32)
                for c in range(DCHUNKS):
                    sl = pl.ds(c * L, L)
                    comp = srow_v[r, sl] * rrow_v[r, sl]
                    msg_v[r, sl] = comp
                    acc += comp * drow_v[r, sl]
                s = jnp.sum(acc)
                sv = jnp.broadcast_to(s, (L,))
                msg_v[r, pl.ds(128, L)] = jnp.exp(jnp.minimum(sv, 75.0))

            @pl.loop(0, nrows)
            def _scale(r):
                ev = msg_v[r, pl.ds(128, L)]
                for c in range(DCHUNKS):
                    sl = pl.ds(c * L, L)
                    msg_v[r, sl] = msg_v[r, sl] * ev
                msg_v[r, pl.ds(128, L)] = jnp.where(
                    lane0, ev, jnp.zeros((L,), jnp.float32))

            pltpu.sync_copy(msg_v.at[sl_rows],
                            acc_sh.at[didx_v.at[sl_rows]], add=True)

        @pl.loop(0, nblk)
        def _block(blk):
            do_block(ebase + blk * B, B)

        do_block(ebase + nblk * B, TB)

        plsc.subcore_barrier()
        pltpu.sync_copy(
            acc_sh.at[pl.ds(sid * rows_per_tile, rows_per_tile)],
            part_hbm.at[cid, pl.ds(sid * rows_per_tile, rows_per_tile)])

    return sc_kernel(ent_emb, rel_emb, src, dst, rid, zeros)


def _tc_finish_body(part_ref, w_ref, out_ref):
    p = part_ref[0] + part_ref[1]
    neigh = p[:, :128] / (p[:, 128:129] + 1e-16)
    out_ref[...] = jnp.tanh(
        jnp.dot(neigh, w_ref[...], preferred_element_type=jnp.float32))


def _tc_finish(part, neigh_w):
    n_ent = part.shape[1]
    return pl.pallas_call(
        _tc_finish_body,
        out_shape=jax.ShapeDtypeStruct((n_ent, 128), jnp.float32),
    )(part, neigh_w)


def kernel(ent_emb, rel_emb, edge_index, rel_id, neigh_w):
    n_ent, d = ent_emb.shape
    e = rel_id.shape[0]
    src = edge_index[0].astype(jnp.int32)
    dst = edge_index[1].astype(jnp.int32)
    rid = rel_id.astype(jnp.int32)
    zeros = jnp.zeros((n_ent // NS, ACC_W), jnp.float32)
    part = _sc_edge_pass(n_ent, d, e, ent_emb, rel_emb, src, dst, rid, zeros)
    return _tc_finish(part, neigh_w)

# --- scband reference (transcript-rebuilt; emitter-appended) ---
"""Pipeline reference for scband-comp-layer-7550552506735 (READ-ONLY COPY).

The authoritative reference and input builder live on the scoring server;
editing this copy changes nothing except your own understanding.
"""

import jax, jax.numpy as jnp
import numpy as np

N_ENT = 10000
N_REL = 500
E = 320000
D = 128


def setup_inputs(seed: int = 0) -> dict:
    key = jax.random.key(seed)
    k1, k2, k3, k4, k5 = jax.random.split(key, 5)
    ent_emb = jax.random.normal(k1, (N_ENT, D), dtype=jnp.float32)
    rel_emb = jax.random.normal(k2, (2 * N_REL, D), dtype=jnp.float32)
    edge_index = jax.random.randint(k3, (2, E), 0, N_ENT)
    rel_id = jax.random.randint(k4, (E,), 0, 2 * N_REL)
    # learned parameter: neigh_w [emb_dim, emb_dim] (xavier-like init)
    neigh_w = jax.random.normal(k5, (D, D), dtype=jnp.float32) * (1.0 / np.sqrt(D))
    return {
        "ent_emb": ent_emb,
        "rel_emb": rel_emb,
        "edge_index": edge_index,
        "rel_id": rel_id,
        "neigh_w": neigh_w,
    }


def reference(ent_emb, rel_emb, edge_index, rel_id, neigh_w):
    src = edge_index[0]
    dst = edge_index[1]
    # u_mul_e: comp_emb = ent_emb[src] * rel_emb[rel_id]  (comp_op == 'mul')
    comp_emb = ent_emb[src] * rel_emb[rel_id]
    # e_dot_v: per-edge score = <comp_emb, ent_emb[dst]>
    score = jnp.sum(comp_emb * ent_emb[dst], axis=-1)
    # dgl.ops.edge_softmax over incoming edges of each dst node
    smax = jax.ops.segment_max(score, dst, num_segments=N_ENT)
    smax = jnp.where(jnp.isfinite(smax), smax, 0.0)
    ex = jnp.exp(score - smax[dst])
    ssum = jax.ops.segment_sum(ex, dst, num_segments=N_ENT)
    norm = ex / (ssum[dst] + 1e-16)
    comp_emb = comp_emb * norm[:, None]
    # update_all(copy_e, sum): scatter-add edge messages into dst nodes
    neigh = jax.ops.segment_sum(comp_emb, dst, num_segments=N_ENT)
    # linear projection + tanh (bn disabled)
    out = jnp.tanh(neigh @ neigh_w)
    return out

if __name__ == "__main__":
    import jax
    _d = setup_inputs()
    print(jax.jit(kernel)(*tuple(_d.values())))

</pallas_src>

<mosaic_0001>
#map = affine_map<(d0, d1) -> (0, 0)>
#map1 = affine_map<(d0, d1) -> (0)>
#map2 = affine_map<(d0, d1) -> (0, 0, 0)>
module attributes {stable_mosaic.version = 14 : i64} {
  func.func @sc_kernel(%arg0: i32, %arg1: i32, %arg2: memref<10000x128xf32, #tpu.memory_space<hbm>>, %arg3: memref<1000x128xf32, #tpu.memory_space<hbm>>, %arg4: memref<320000xi32, #tpu.memory_space<hbm>>, %arg5: memref<320000xi32, #tpu.memory_space<hbm>>, %arg6: memref<320000xi32, #tpu.memory_space<hbm>>, %arg7: memref<625x144xf32, #tpu.memory_space<hbm>>, %arg8: memref<2x10000x144xf32, #tpu.memory_space<hbm>>, %arg9: memref<64xi32, #tpu.memory_space<vmem>>, %arg10: memref<64xi32, #tpu.memory_space<vmem>>, %arg11: memref<64xi32, #tpu.memory_space<vmem>>, %arg12: memref<64x128xf32, #tpu.memory_space<vmem>>, %arg13: memref<64x128xf32, #tpu.memory_space<vmem>>, %arg14: memref<64x128xf32, #tpu.memory_space<vmem>>, %arg15: memref<64x144xf32, #tpu.memory_space<vmem>>, %arg16: memref<10000x144xf32, #tpu.memory_space<vmem_shared>>, %arg17: memref<!tpu.dma_semaphore, #tpu.memory_space<semaphore_mem>>) attributes {dimension_semantics = [#tpu.dimension_semantics<core_parallel>, #tpu.dimension_semantics<subcore_parallel>], iteration_bounds = array<i64: 2, 16>, scalar_prefetch = 0 : i64, scratch_operands = 9 : i64, tpu.core_type = #tpu.core_type<sc_vector_subcore>, window_params = [{transform_indices = #map}, {transform_indices = #map}, {transform_indices = #map1}, {transform_indices = #map1}, {transform_indices = #map1}, {transform_indices = #map}, {transform_indices = #map2}]} {
    %mul3A = arith.constant 2 : i32
    %mul3A_0 = arith.muli %arg1, %mul3A : i32
    %add3A = arith.addi %mul3A_0, %arg0 : i32
    %mul3A_1 = arith.constant 625 : i32
    %mul3A_2 = arith.muli %arg1, %mul3A_1 : i32
    "tpu.region"() ({
      %run_scoped3A = tpu.sem_alloc : memref<!tpu.dma_semaphore, #tpu.memory_space<semaphore_mem>>
      %dma_start3A_74 = arith.constant 0 : i32
      %dma_start3A_75 = tpu.memref_slice %arg16[%mul3A_2, %dma_start3A_74] : memref<10000x144xf32, #tpu.memory_space<vmem_shared>> -> memref<625x144xf32, #tpu.memory_space<vmem_shared>>
      tpu.enqueue_dma source(%arg7 : memref<625x144xf32, #tpu.memory_space<hbm>>) target(%dma_start3A_75 : memref<625x144xf32, #tpu.memory_space<vmem_shared>>) target_semaphore(%run_scoped3A : memref<!tpu.dma_semaphore, #tpu.memory_space<semaphore_mem>>)
      %dma_wait3A_76 = arith.constant 0 : i32
      %dma_wait3A_77 = tpu.memref_slice %arg16[%mul3A_2, %dma_wait3A_76] : memref<10000x144xf32, #tpu.memory_space<vmem_shared>> -> memref<625x144xf32, #tpu.memory_space<vmem_shared>>
      tpu.wait_dma2 semaphore(%run_scoped3A : memref<!tpu.dma_semaphore, #tpu.memory_space<semaphore_mem>>) src(%arg7 : memref<625x144xf32, #tpu.memory_space<hbm>>) dst(%dma_wait3A_77 : memref<625x144xf32, #tpu.memory_space<vmem_shared>>)
      tpu.yield
    }) : () -> ()
    %barrier3A = arith.constant 0 : index
    tpu.barrier barrier_id(%barrier3A)
    %mul3A_3 = arith.constant 10000 : i32
    %mul3A_4 = arith.muli %add3A, %mul3A_3 : i32
    %iota3A = tpu.iota {dimensions = array<i32: 0>} : vector<16xi32>
    %eq3A = arith.constant 0 : i32
    %eq3A_5 = vector.broadcast %eq3A : i32 to vector<16xi32>
    %eq3A_6 = arith.cmpi eq, %iota3A, %eq3A_5 : vector<16xi32>
    %scan3A = arith.constant 0 : i32
    %scan3A_7 = arith.constant 156 : i32
    %scan3A_8 = arith.addi %scan3A, %scan3A_7 : i32
    %scan3A_9 = arith.constant 1 : i32
    scf.for %scan3A_74 = %scan3A to %scan3A_8 step %scan3A_9  : i32 {
      %mul3A_75 = arith.constant 1 : i32
      %mul3A_76 = arith.muli %scan3A_74, %mul3A_75 : i32
      %add3A_77 = arith.constant 0 : i32
      %add3A_78 = arith.addi %add3A_77, %mul3A_76 : i32
      %mul3A_79 = arith.constant 64 : i32
      %mul3A_80 = arith.muli %add3A_78, %mul3A_79 : i32
      %add3A_81 = arith.addi %mul3A_4, %mul3A_80 : i32
      "tpu.region"() ({
        %run_scoped3A = tpu.sem_alloc : memref<!tpu.dma_semaphore, #tpu.memory_space<semaphore_mem>>
        %dma_start3A_140 = arith.constant 0 : i32
        %dma_start3A_141 = tpu.memref_slice %arg9[%dma_start3A_140] : memref<64xi32, #tpu.memory_space<vmem>> -> memref<64xi32, #tpu.memory_space<vmem>>
        %dma_start3A_142 = tpu.memref_slice %arg4[%add3A_81] : memref<320000xi32, #tpu.memory_space<hbm>> -> memref<64xi32, #tpu.memory_space<hbm>>
        %dma_start3A_143 = arith.constant 0 : i32
        %dma_start3A_144 = tpu.memref_slice %arg9[%dma_start3A_143] : memref<64xi32, #tpu.memory_space<vmem>> -> memref<64xi32, #tpu.memory_space<vmem>>
        %dma_start3A_145 = tpu.memref_slice %arg4[%add3A_81] : memref<320000xi32, #tpu.memory_space<hbm>> -> memref<64xi32, #tpu.memory_space<hbm>>
        tpu.enqueue_dma source(%dma_start3A_145 : memref<64xi32, #tpu.memory_space<hbm>>) target(%dma_start3A_144 : memref<64xi32, #tpu.memory_space<vmem>>) target_semaphore(%run_scoped3A : memref<!tpu.dma_semaphore, #tpu.memory_space<semaphore_mem>>)
        %dma_wait3A_146 = arith.constant 0 : i32
        %dma_wait3A_147 = tpu.memref_slice %arg9[%dma_wait3A_146] : memref<64xi32, #tpu.memory_space<vmem>> -> memref<64xi32, #tpu.memory_space<vmem>>
        %dma_wait3A_148 = tpu.memref_slice %arg4[%add3A_81] : memref<320000xi32, #tpu.memory_space<hbm>> -> memref<64xi32, #tpu.memory_space<hbm>>
        %dma_wait3A_149 = arith.constant 0 : i32
        %dma_wait3A_150 = tpu.memref_slice %arg9[%dma_wait3A_149] : memref<64xi32, #tpu.memory_space<vmem>> -> memref<64xi32, #tpu.memory_space<vmem>>
        %dma_wait3A_151 = tpu.memref_slice %arg4[%add3A_81] : memref<320000xi32, #tpu.memory_space<hbm>> -> memref<64xi32, #tpu.memory_space<hbm>>
        tpu.wait_dma2 semaphore(%run_scoped3A : memref<!tpu.dma_semaphore, #tpu.memory_space<semaphore_mem>>) src(%dma_wait3A_151 : memref<64xi32, #tpu.memory_space<hbm>>) dst(%dma_wait3A_150 : memref<64xi32, #tpu.memory_space<vmem>>)
        tpu.yield
      }) : () -> ()
      "tpu.region"() ({
        %run_scoped3A = tpu.sem_alloc : memref<!tpu.dma_semaphore, #tpu.memory_space<semaphore_mem>>
        %dma_start3A_140 = arith.constant 0 : i32
        %dma_start3A_141 = tpu.memref_slice %arg10[%dma_start3A_140] : memref<64xi32, #tpu.memory_space<vmem>> -> memref<64xi32, #tpu.memory_space<vmem>>
        %dma_start3A_142 = tpu.memref_slice %arg5[%add3A_81] : memref<320000xi32, #tpu.memory_space<hbm>> -> memref<64xi32, #tpu.memory_space<hbm>>
        %dma_start3A_143 = arith.constant 0 : i32
        %dma_start3A_144 = tpu.memref_slice %arg10[%dma_start3A_143] : memref<64xi32, #tpu.memory_space<vmem>> -> memref<64xi32, #tpu.memory_space<vmem>>
        %dma_start3A_145 = tpu.memref_slice %arg5[%add3A_81] : memref<320000xi32, #tpu.memory_space<hbm>> -> memref<64xi32, #tpu.memory_space<hbm>>
        tpu.enqueue_dma source(%dma_start3A_145 : memref<64xi32, #tpu.memory_space<hbm>>) target(%dma_start3A_144 : memref<64xi32, #tpu.memory_space<vmem>>) target_semaphore(%run_scoped3A : memref<!tpu.dma_semaphore, #tpu.memory_space<semaphore_mem>>)
        %dma_wait3A_146 = arith.constant 0 : i32
        %dma_wait3A_147 = tpu.memref_slice %arg10[%dma_wait3A_146] : memref<64xi32, #tpu.memory_space<vmem>> -> memref<64xi32, #tpu.memory_space<vmem>>
        %dma_wait3A_148 = tpu.memref_slice %arg5[%add3A_81] : memref<320000xi32, #tpu.memory_space<hbm>> -> memref<64xi32, #tpu.memory_space<hbm>>
        %dma_wait3A_149 = arith.constant 0 : i32
        %dma_wait3A_150 = tpu.memref_slice %arg10[%dma_wait3A_149] : memref<64xi32, #tpu.memory_space<vmem>> -> memref<64xi32, #tpu.memory_space<vmem>>
        %dma_wait3A_151 = tpu.memref_slice %arg5[%add3A_81] : memref<320000xi32, #tpu.memory_space<hbm>> -> memref<64xi32, #tpu.memory_space<hbm>>
        tpu.wait_dma2 semaphore(%run_scoped3A : memref<!tpu.dma_semaphore, #tpu.memory_space<semaphore_mem>>) src(%dma_wait3A_151 : memref<64xi32, #tpu.memory_space<hbm>>) dst(%dma_wait3A_150 : memref<64xi32, #tpu.memory_space<vmem>>)
        tpu.yield
      }) : () -> ()
      "tpu.region"() ({
        %run_scoped3A = tpu.sem_alloc : memref<!tpu.dma_semaphore, #tpu.memory_space<semaphore_mem>>
        %dma_start3A_140 = arith.constant 0 : i32
        %dma_start3A_141 = tpu.memref_slice %arg11[%dma_start3A_140] : memref<64xi32, #tpu.memory_space<vmem>> -> memref<64xi32, #tpu.memory_space<vmem>>
        %dma_start3A_142 = tpu.memref_slice %arg6[%add3A_81] : memref<320000xi32, #tpu.memory_space<hbm>> -> memref<64xi32, #tpu.memory_space<hbm>>
        %dma_start3A_143 = arith.constant 0 : i32
        %dma_start3A_144 = tpu.memref_slice %arg11[%dma_start3A_143] : memref<64xi32, #tpu.memory_space<vmem>> -> memref<64xi32, #tpu.memory_space<vmem>>
        %dma_start3A_145 = tpu.memref_slice %arg6[%add3A_81] : memref<320000xi32, #tpu.memory_space<hbm>> -> memref<64xi32, #tpu.memory_space<hbm>>
        tpu.enqueue_dma source(%dma_start3A_145 : memref<64xi32, #tpu.memory_space<hbm>>) target(%dma_start3A_144 : memref<64xi32, #tpu.memory_space<vmem>>) target_semaphore(%run_scoped3A : memref<!tpu.dma_semaphore, #tpu.memory_space<semaphore_mem>>)
        %dma_wait3A_146 = arith.constant 0 : i32
        %dma_wait3A_147 = tpu.memref_slice %arg11[%dma_wait3A_146] : memref<64xi32, #tpu.memory_space<vmem>> -> memref<64xi32, #tpu.memory_space<vmem>>
        %dma_wait3A_148 = tpu.memref_slice %arg6[%add3A_81] : memref<320000xi32, #tpu.memory_space<hbm>> -> memref<64xi32, #tpu.memory_space<hbm>>
        %dma_wait3A_149 = arith.constant 0 : i32
        %dma_wait3A_150 = tpu.memref_slice %arg11[%dma_wait3A_149] : memref<64xi32, #tpu.memory_space<vmem>> -> memref<64xi32, #tpu.memory_space<vmem>>
        %dma_wait3A_151 = tpu.memref_slice %arg6[%add3A_81] : memref<320000xi32, #tpu.memory_space<hbm>> -> memref<64xi32, #tpu.memory_space<hbm>>
        tpu.wait_dma2 semaphore(%run_scoped3A : memref<!tpu.dma_semaphore, #tpu.memory_space<semaphore_mem>>) src(%dma_wait3A_151 : memref<64xi32, #tpu.memory_space<hbm>>) dst(%dma_wait3A_150 : memref<64xi32, #tpu.memory_space<vmem>>)
        tpu.yield
      }) : () -> ()
      %dma_start3A_82 = arith.constant 0 : i32
      %dma_start3A_83 = arith.constant 0 : i32
      %dma_start3A_84 = tpu.memref_slice %arg12[%dma_start3A_82, %dma_start3A_83] : memref<64x128xf32, #tpu.memory_space<vmem>> -> memref<64x128xf32, #tpu.memory_space<vmem>>
      %dma_start3A_85 = arith.constant 0 : i32
      %dma_start3A_86 = tpu.memref_slice %arg9[%dma_start3A_85] : memref<64xi32, #tpu.memory_space<vmem>> -> memref<64xi32, #tpu.memory_space<vmem>>
      %dma_start3A_87 = arith.constant 0 : i32
      %dma_start3A_88 = arith.constant 0 : i32
      %dma_start3A_89 = tpu.memref_slice %arg2[%dma_start3A_87, %dma_start3A_88] : memref<10000x128xf32, #tpu.memory_space<hbm>> -> memref<10000x128xf32, #tpu.memory_space<hbm>>
      tpu.enqueue_indirect_dma source(%dma_start3A_89 : memref<10000x128xf32, #tpu.memory_space<hbm>>) target(%dma_start3A_84 : memref<64x128xf32, #tpu.memory_space<vmem>>) offsets(%dma_start3A_86 : memref<64xi32, #tpu.memory_space<vmem>>) semaphore(%arg17 : memref<!tpu.dma_semaphore, #tpu.memory_space<semaphore_mem>>)
      %dma_start3A_90 = arith.constant 0 : i32
      %dma_start3A_91 = arith.constant 0 : i32
      %dma_start3A_92 = tpu.memref_slice %arg13[%dma_start3A_90, %dma_start3A_91] : memref<64x128xf32, #tpu.memory_space<vmem>> -> memref<64x128xf32, #tpu.memory_space<vmem>>
      %dma_start3A_93 = arith.constant 0 : i32
      %dma_start3A_94 = tpu.memref_slice %arg11[%dma_start3A_93] : memref<64xi32, #tpu.memory_space<vmem>> -> memref<64xi32, #tpu.memory_space<vmem>>
      %dma_start3A_95 = arith.constant 0 : i32
      %dma_start3A_96 = arith.constant 0 : i32
      %dma_start3A_97 = tpu.memref_slice %arg3[%dma_start3A_95, %dma_start3A_96] : memref<1000x128xf32, #tpu.memory_space<hbm>> -> memref<1000x128xf32, #tpu.memory_space<hbm>>
      tpu.enqueue_indirect_dma source(%dma_start3A_97 : memref<1000x128xf32, #tpu.memory_space<hbm>>) target(%dma_start3A_92 : memref<64x128xf32, #tpu.memory_space<vmem>>) offsets(%dma_start3A_94 : memref<64xi32, #tpu.memory_space<vmem>>) semaphore(%arg17 : memref<!tpu.dma_semaphore, #tpu.memory_space<semaphore_mem>>)
      %dma_start3A_98 = arith.constant 0 : i32
      %dma_start3A_99 = arith.constant 0 : i32
      %dma_start3A_100 = tpu.memref_slice %arg14[%dma_start3A_98, %dma_start3A_99] : memref<64x128xf32, #tpu.memory_space<vmem>> -> memref<64x128xf32, #tpu.memory_space<vmem>>
      %dma_start3A_101 = arith.constant 0 : i32
      %dma_start3A_102 = tpu.memref_slice %arg10[%dma_start3A_101] : memref<64xi32, #tpu.memory_space<vmem>> -> memref<64xi32, #tpu.memory_space<vmem>>
      %dma_start3A_103 = arith.constant 0 : i32
      %dma_start3A_104 = arith.constant 0 : i32
      %dma_start3A_105 = tpu.memref_slice %arg2[%dma_start3A_103, %dma_start3A_104] : memref<10000x128xf32, #tpu.memory_space<hbm>> -> memref<10000x128xf32, #tpu.memory_space<hbm>>
      tpu.enqueue_indirect_dma source(%dma_start3A_105 : memref<10000x128xf32, #tpu.memory_space<hbm>>) target(%dma_start3A_100 : memref<64x128xf32, #tpu.memory_space<vmem>>) offsets(%dma_start3A_102 : memref<64xi32, #tpu.memory_space<vmem>>) semaphore(%arg17 : memref<!tpu.dma_semaphore, #tpu.memory_space<semaphore_mem>>)
      %dma_wait3A_106 = arith.constant 0 : i32
      %dma_wait3A_107 = arith.constant 0 : i32
      %dma_wait3A_108 = tpu.memref_slice %arg12[%dma_wait3A_106, %dma_wait3A_107] : memref<64x128xf32, #tpu.memory_space<vmem>> -> memref<64x128xf32, #tpu.memory_space<vmem>>
      %dma_wait3A_109 = arith.constant 0 : i32
      %dma_wait3A_110 = tpu.memref_slice %arg9[%dma_wait3A_109] : memref<64xi32, #tpu.memory_space<vmem>> -> memref<64xi32, #tpu.memory_space<vmem>>
      %dma_wait3A_111 = arith.constant 0 : i32
      %dma_wait3A_112 = arith.constant 0 : i32
      %dma_wait3A_113 = tpu.memref_slice %arg2[%dma_wait3A_111, %dma_wait3A_112] : memref<10000x128xf32, #tpu.memory_space<hbm>> -> memref<10000x128xf32, #tpu.memory_space<hbm>>
      tpu.wait_indirect_dma semaphore(%arg17 : memref<!tpu.dma_semaphore, #tpu.memory_space<semaphore_mem>>) src(%dma_wait3A_113 : memref<10000x128xf32, #tpu.memory_space<hbm>>) dst(%dma_wait3A_108 : memref<64x128xf32, #tpu.memory_space<vmem>>)
      %dma_wait3A_114 = arith.constant 0 : i32
      %dma_wait3A_115 = arith.constant 0 : i32
      %dma_wait3A_116 = tpu.memref_slice %arg13[%dma_wait3A_114, %dma_wait3A_115] : memref<64x128xf32, #tpu.memory_space<vmem>> -> memref<64x128xf32, #tpu.memory_space<vmem>>
      %dma_wait3A_117 = arith.constant 0 : i32
      %dma_wait3A_118 = tpu.memref_slice %arg11[%dma_wait3A_117] : memref<64xi32, #tpu.memory_space<vmem>> -> memref<64xi32, #tpu.memory_space<vmem>>
      %dma_wait3A_119 = arith.constant 0 : i32
      %dma_wait3A_120 = arith.constant 0 : i32
      %dma_wait3A_121 = tpu.memref_slice %arg3[%dma_wait3A_119, %dma_wait3A_120] : memref<1000x128xf32, #tpu.memory_space<hbm>> -> memref<1000x128xf32, #tpu.memory_space<hbm>>
      tpu.wait_indirect_dma semaphore(%arg17 : memref<!tpu.dma_semaphore, #tpu.memory_space<semaphore_mem>>) src(%dma_wait3A_121 : memref<1000x128xf32, #tpu.memory_space<hbm>>) dst(%dma_wait3A_116 : memref<64x128xf32, #tpu.memory_space<vmem>>)
      %dma_wait3A_122 = arith.constant 0 : i32
      %dma_wait3A_123 = arith.constant 0 : i32
      %dma_wait3A_124 = tpu.memref_slice %arg14[%dma_wait3A_122, %dma_wait3A_123] : memref<64x128xf32, #tpu.memory_space<vmem>> -> memref<64x128xf32, #tpu.memory_space<vmem>>
      %dma_wait3A_125 = arith.constant 0 : i32
      %dma_wait3A_126 = tpu.memref_slice %arg10[%dma_wait3A_125] : memref<64xi32, #tpu.memory_space<vmem>> -> memref<64xi32, #tpu.memory_space<vmem>>
      %dma_wait3A_127 = arith.constant 0 : i32
      %dma_wait3A_128 = arith.constant 0 : i32
      %dma_wait3A_129 = tpu.memref_slice %arg2[%dma_wait3A_127, %dma_wait3A_128] : memref<10000x128xf32, #tpu.memory_space<hbm>> -> memref<10000x128xf32, #tpu.memory_space<hbm>>
      tpu.wait_indirect_dma semaphore(%arg17 : memref<!tpu.dma_semaphore, #tpu.memory_space<semaphore_mem>>) src(%dma_wait3A_129 : memref<10000x128xf32, #tpu.memory_space<hbm>>) dst(%dma_wait3A_124 : memref<64x128xf32, #tpu.memory_space<vmem>>)
      %scan3A_130 = arith.constant 0 : i32
      %scan3A_131 = arith.constant 64 : i32
      %scan3A_132 = arith.addi %scan3A_130, %scan3A_131 : i32
      %scan3A_133 = arith.constant 1 : i32
      scf.for %scan3A_140 = %scan3A_130 to %scan3A_132 step %scan3A_133  : i32 {
        %mul3A_141 = arith.constant 1 : i32
        %mul3A_142 = arith.muli %scan3A_140, %mul3A_141 : i32
        %add3A_143 = arith.constant 0 : i32
        %add3A_144 = arith.addi %add3A_143, %mul3A_142 : i32
        %broadcast_in_dim3A = arith.constant 0.000000e+00 : f32
        %broadcast_in_dim3A_145 = vector.broadcast %broadcast_in_dim3A : f32 to vector<16xf32>
        %get3A = arith.index_cast %add3A_144 : i32 to index
        %get3A_146 = arith.constant 0 : index
        %get3A_147 = tpu.vector_load %arg12[%get3A, %get3A_146] {strides = array<i32>} : memref<64x128xf32, #tpu.memory_space<vmem>>, vector<16xf32>,
        %get3A_148 = arith.index_cast %add3A_144 : i32 to index
        %get3A_149 = arith.constant 0 : index
        %get3A_150 = tpu.vector_load %arg13[%get3A_148, %get3A_149] {strides = array<i32>} : memref<64x128xf32, #tpu.memory_space<vmem>>, vector<16xf32>,
        %mul3A_151 = arith.mulf %get3A_147, %get3A_150 : vector<16xf32>
        %swap3A = arith.index_cast %add3A_144 : i32 to index
        %swap3A_152 = arith.constant 0 : index
        %swap3A_153 = tpu.vector_load %arg15[%swap3A, %swap3A_152] {strides = array<i32>} : memref<64x144xf32, #tpu.memory_space<vmem>>, vector<16xf32>,
        tpu.vector_store %arg15[%swap3A, %swap3A_152], %mul3A_151 {strides = array<i32>} : memref<64x144xf32, #tpu.memory_space<vmem>>, vector<16xf32>,
        %get3A_154 = arith.index_cast %add3A_144 : i32 to index
        %get3A_155 = arith.constant 0 : index
        %get3A_156 = tpu.vector_load %arg14[%get3A_154, %get3A_155] {strides = array<i32>} : memref<64x128xf32, #tpu.memory_space<vmem>>, vector<16xf32>,
        %mul3A_157 = arith.mulf %mul3A_151, %get3A_156 : vector<16xf32>
        %add3A_158 = arith.addf %broadcast_in_dim3A_145, %mul3A_157 : vector<16xf32>
        %get3A_159 = arith.index_cast %add3A_144 : i32 to index
        %get3A_160 = arith.constant 16 : index
        %get3A_161 = tpu.vector_load %arg12[%get3A_159, %get3A_160] {strides = array<i32>} : memref<64x128xf32, #tpu.memory_space<vmem>>, vector<16xf32>,
        %get3A_162 = arith.index_cast %add3A_144 : i32 to index
        %get3A_163 = arith.constant 16 : index
        %get3A_164 = tpu.vector_load %arg13[%get3A_162, %get3A_163] {strides = array<i32>} : memref<64x128xf32, #tpu.memory_space<vmem>>, vector<16xf32>,
        %mul3A_165 = arith.mulf %get3A_161, %get3A_164 : vector<16xf32>
        %swap3A_166 = arith.index_cast %add3A_144 : i32 to index
        %swap3A_167 = arith.constant 16 : index
        %swap3A_168 = tpu.vector_load %arg15[%swap3A_166, %swap3A_167] {strides = array<i32>} : memref<64x144xf32, #tpu.memory_space<vmem>>, vector<16xf32>,
        tpu.vector_store %arg15[%swap3A_166, %swap3A_167], %mul3A_165 {strides = array<i32>} : memref<64x144xf32, #tpu.memory_space<vmem>>, vector<16xf32>,
        %get3A_169 = arith.index_cast %add3A_144 : i32 to index
        %get3A_170 = arith.constant 16 : index
        %get3A_171 = tpu.vector_load %arg14[%get3A_169, %get3A_170] {strides = array<i32>} : memref<64x128xf32, #tpu.memory_space<vmem>>, vector<16xf32>,
        %mul3A_172 = arith.mulf %mul3A_165, %get3A_171 : vector<16xf32>
        %add3A_173 = arith.addf %add3A_158, %mul3A_172 : vector<16xf32>
        %get3A_174 = arith.index_cast %add3A_144 : i32 to index
        %get3A_175 = arith.constant 32 : index
        %get3A_176 = tpu.vector_load %arg12[%get3A_174, %get3A_175] {strides = array<i32>} : memref<64x128xf32, #tpu.memory_space<vmem>>, vector<16xf32>,
        %get3A_177 = arith.index_cast %add3A_144 : i32 to index
        %get3A_178 = arith.constant 32 : index
        %get3A_179 = tpu.vector_load %arg13[%get3A_177, %get3A_178] {strides = array<i32>} : memref<64x128xf32, #tpu.memory_space<vmem>>, vector<16xf32>,
        %mul3A_180 = arith.mulf %get3A_176, %get3A_179 : vector<16xf32>
        %swap3A_181 = arith.index_cast %add3A_144 : i32 to index
        %swap3A_182 = arith.constant 32 : index
        %swap3A_183 = tpu.vector_load %arg15[%swap3A_181, %swap3A_182] {strides = array<i32>} : memref<64x144xf32, #tpu.memory_space<vmem>>, vector<16xf32>,
        tpu.vector_store %arg15[%swap3A_181, %swap3A_182], %mul3A_180 {strides = array<i32>} : memref<64x144xf32, #tpu.memory_space<vmem>>, vector<16xf32>,
        %get3A_184 = arith.index_cast %add3A_144 : i32 to index
        %get3A_185 = arith.constant 32 : index
        %get3A_186 = tpu.vector_load %arg14[%get3A_184, %get3A_185] {strides = array<i32>} : memref<64x128xf32, #tpu.memory_space<vmem>>, vector<16xf32>,
        %mul3A_187 = arith.mulf %mul3A_180, %get3A_186 : vector<16xf32>
        %add3A_188 = arith.addf %add3A_173, %mul3A_187 : vector<16xf32>
        %get3A_189 = arith.index_cast %add3A_144 : i32 to index
        %get3A_190 = arith.constant 48 : index
        %get3A_191 = tpu.vector_load %arg12[%get3A_189, %get3A_190] {strides = array<i32>} : memref<64x128xf32, #tpu.memory_space<vmem>>, vector<16xf32>,
        %get3A_192 = arith.index_cast %add3A_144 : i32 to index
        %get3A_193 = arith.constant 48 : index
        %get3A_194 = tpu.vector_load %arg13[%get3A_192, %get3A_193] {strides = array<i32>} : memref<64x128xf32, #tpu.memory_space<vmem>>, vector<16xf32>,
        %mul3A_195 = arith.mulf %get3A_191, %get3A_194 : vector<16xf32>
        %swap3A_196 = arith.index_cast %add3A_144 : i32 to index
        %swap3A_197 = arith.constant 48 : index
        %swap3A_198 = tpu.vector_load %arg15[%swap3A_196, %swap3A_197] {strides = array<i32>} : memref<64x144xf32, #tpu.memory_space<vmem>>, vector<16xf32>,
        tpu.vector_store %arg15[%swap3A_196, %swap3A_197], %mul3A_195 {strides = array<i32>} : memref<64x144xf32, #tpu.memory_space<vmem>>, vector<16xf32>,
        %get3A_199 = arith.index_cast %add3A_144 : i32 to index
        %get3A_200 = arith.constant 48 : index
        %get3A_201 = tpu.vector_load %arg14[%get3A_199, %get3A_200] {strides = array<i32>} : memref<64x128xf32, #tpu.memory_space<vmem>>, vector<16xf32>,
        %mul3A_202 = arith.mulf %mul3A_195, %get3A_201 : vector<16xf32>
        %add3A_203 = arith.addf %add3A_188, %mul3A_202 : vector<16xf32>
        %get3A_204 = arith.index_cast %add3A_144 : i32 to index
        %get3A_205 = arith.constant 64 : index
        %get3A_206 = tpu.vector_load %arg12[%get3A_204, %get3A_205] {strides = array<i32>} : memref<64x128xf32, #tpu.memory_space<vmem>>, vector<16xf32>,
        %get3A_207 = arith.index_cast %add3A_144 : i32 to index
        %get3A_208 = arith.constant 64 : index
        %get3A_209 = tpu.vector_load %arg13[%get3A_207, %get3A_208] {strides = array<i32>} : memref<64x128xf32, #tpu.memory_space<vmem>>, vector<16xf32>,
        %mul3A_210 = arith.mulf %get3A_206, %get3A_209 : vector<16xf32>
        %swap3A_211 = arith.index_cast %add3A_144 : i32 to index
        %swap3A_212 = arith.constant 64 : index
        %swap3A_213 = tpu.vector_load %arg15[%swap3A_211, %swap3A_212] {strides = array<i32>} : memref<64x144xf32, #tpu.memory_space<vmem>>, vector<16xf32>,
        tpu.vector_store %arg15[%swap3A_211, %swap3A_212], %mul3A_210 {strides = array<i32>} : memref<64x144xf32, #tpu.memory_space<vmem>>, vector<16xf32>,
        %get3A_214 = arith.index_cast %add3A_144 : i32 to index
        %get3A_215 = arith.constant 64 : index
        %get3A_216 = tpu.vector_load %arg14[%get3A_214, %get3A_215] {strides = array<i32>} : memref<64x128xf32, #tpu.memory_space<vmem>>, vector<16xf32>,
        %mul3A_217 = arith.mulf %mul3A_210, %get3A_216 : vector<16xf32>
        %add3A_218 = arith.addf %add3A_203, %mul3A_217 : vector<16xf32>
        %get3A_219 = arith.index_cast %add3A_144 : i32 to index
        %get3A_220 = arith.constant 80 : index
        %get3A_221 = tpu.vector_load %arg12[%get3A_219, %get3A_220] {strides = array<i32>} : memref<64x128xf32, #tpu.memory_space<vmem>>, vector<16xf32>,
        %get3A_222 = arith.index_cast %add3A_144 : i32 to index
        %get3A_223 = arith.constant 80 : index
        %get3A_224 = tpu.vector_load %arg13[%get3A_222, %get3A_223] {strides = array<i32>} : memref<64x128xf32, #tpu.memory_space<vmem>>, vector<16xf32>,
        %mul3A_225 = arith.mulf %get3A_221, %get3A_224 : vector<16xf32>
        %swap3A_226 = arith.index_cast %add3A_144 : i32 to index
        %swap3A_227 = arith.constant 80 : index
        %swap3A_228 = tpu.vector_load %arg15[%swap3A_226, %swap3A_227] {strides = array<i32>} : memref<64x144xf32, #tpu.memory_space<vmem>>, vector<16xf32>,
        tpu.vector_store %arg15[%swap3A_226, %swap3A_227], %mul3A_225 {strides = array<i32>} : memref<64x144xf32, #tpu.memory_space<vmem>>, vector<16xf32>,
        %get3A_229 = arith.index_cast %add3A_144 : i32 to index
        %get3A_230 = arith.constant 80 : index
        %get3A_231 = tpu.vector_load %arg14[%get3A_229, %get3A_230] {strides = array<i32>} : memref<64x128xf32, #tpu.memory_space<vmem>>, vector<16xf32>,
        %mul3A_232 = arith.mulf %mul3A_225, %get3A_231 : vector<16xf32>
        %add3A_233 = arith.addf %add3A_218, %mul3A_232 : vector<16xf32>
        %get3A_234 = arith.index_cast %add3A_144 : i32 to index
        %get3A_235 = arith.constant 96 : index
        %get3A_236 = tpu.vector_load %arg12[%get3A_234, %get3A_235] {strides = array<i32>} : memref<64x128xf32, #tpu.memory_space<vmem>>, vector<16xf32>,
        %get3A_237 = arith.index_cast %add3A_144 : i32 to index
        %get3A_238 = arith.constant 96 : index
        %get3A_239 = tpu.vector_load %arg13[%get3A_237, %get3A_238] {strides = array<i32>} : memref<64x128xf32, #tpu.memory_space<vmem>>, vector<16xf32>,
        %mul3A_240 = arith.mulf %get3A_236, %get3A_239 : vector<16xf32>
        %swap3A_241 = arith.index_cast %add3A_144 : i32 to index
        %swap3A_242 = arith.constant 96 : index
        %swap3A_243 = tpu.vector_load %arg15[%swap3A_241, %swap3A_242] {strides = array<i32>} : memref<64x144xf32, #tpu.memory_space<vmem>>, vector<16xf32>,
        tpu.vector_store %arg15[%swap3A_241, %swap3A_242], %mul3A_240 {strides = array<i32>} : memref<64x144xf32, #tpu.memory_space<vmem>>, vector<16xf32>,
        %get3A_244 = arith.index_cast %add3A_144 : i32 to index
        %get3A_245 = arith.constant 96 : index
        %get3A_246 = tpu.vector_load %arg14[%get3A_244, %get3A_245] {strides = array<i32>} : memref<64x128xf32, #tpu.memory_space<vmem>>, vector<16xf32>,
        %mul3A_247 = arith.mulf %mul3A_240, %get3A_246 : vector<16xf32>
        %add3A_248 = arith.addf %add3A_233, %mul3A_247 : vector<16xf32>
        %get3A_249 = arith.index_cast %add3A_144 : i32 to index
        %get3A_250 = arith.constant 112 : index
        %get3A_251 = tpu.vector_load %arg12[%get3A_249, %get3A_250] {strides = array<i32>} : memref<64x128xf32, #tpu.memory_space<vmem>>, vector<16xf32>,
        %get3A_252 = arith.index_cast %add3A_144 : i32 to index
        %get3A_253 = arith.constant 112 : index
        %get3A_254 = tpu.vector_load %arg13[%get3A_252, %get3A_253] {strides = array<i32>} : memref<64x128xf32, #tpu.memory_space<vmem>>, vector<16xf32>,
        %mul3A_255 = arith.mulf %get3A_251, %get3A_254 : vector<16xf32>
        %swap3A_256 = arith.index_cast %add3A_144 : i32 to index
        %swap3A_257 = arith.constant 112 : index
        %swap3A_258 = tpu.vector_load %arg15[%swap3A_256, %swap3A_257] {strides = array<i32>} : memref<64x144xf32, #tpu.memory_space<vmem>>, vector<16xf32>,
        tpu.vector_store %arg15[%swap3A_256, %swap3A_257], %mul3A_255 {strides = array<i32>} : memref<64x144xf32, #tpu.memory_space<vmem>>, vector<16xf32>,
        %get3A_259 = arith.index_cast %add3A_144 : i32 to index
        %get3A_260 = arith.constant 112 : index
        %get3A_261 = tpu.vector_load %arg14[%get3A_259, %get3A_260] {strides = array<i32>} : memref<64x128xf32, #tpu.memory_space<vmem>>, vector<16xf32>,
        %mul3A_262 = arith.mulf %mul3A_255, %get3A_261 : vector<16xf32>
        %add3A_263 = arith.addf %add3A_248, %mul3A_262 : vector<16xf32>
        %reduce_sum3A = arith.constant true
        %reduce_sum3A_264 = vector.broadcast %reduce_sum3A : i1 to vector<16xi1>
        %reduce_sum3A_265 = tpu.scan <sum>, %add3A_263 masked %reduce_sum3A_264 : vector<16xf32>, vector<16xi1> -> vector<16xf32>
        %reduce_sum3A_266 = vector.extract %reduce_sum3A_265[15] : f32 from vector<16xf32>
        %broadcast_in_dim3A_267 = vector.broadcast %reduce_sum3A_266 : f32 to vector<16xf32>
        %min3A = arith.constant 7.500000e+01 : f32
        %min3A_268 = vector.broadcast %min3A : f32 to vector<16xf32>
        %min3A_269 = arith.minimumf %broadcast_in_dim3A_267, %min3A_268 : vector<16xf32>
        %exp3A = math.exp %min3A_269 : vector<16xf32>
        %swap3A_270 = arith.index_cast %add3A_144 : i32 to index
        %swap3A_271 = arith.constant 128 : index
        %swap3A_272 = tpu.vector_load %arg15[%swap3A_270, %swap3A_271] {strides = array<i32>} : memref<64x144xf32, #tpu.memory_space<vmem>>, vector<16xf32>,
        tpu.vector_store %arg15[%swap3A_270, %swap3A_271], %exp3A {strides = array<i32>} : memref<64x144xf32, #tpu.memory_space<vmem>>, vector<16xf32>,
      }
      %scan3A_134 = arith.constant 64 : i32
      %scan3A_135 = arith.constant 0 : i32
      %scan3A_136 = arith.constant 64 : i32
      %scan3A_137 = arith.addi %scan3A_135, %scan3A_136 : i32
      %scan3A_138 = arith.constant 1 : i32
      scf.for %scan3A_140 = %scan3A_135 to %scan3A_137 step %scan3A_138  : i32 {
        %mul3A_141 = arith.constant 1 : i32
        %mul3A_142 = arith.muli %scan3A_140, %mul3A_141 : i32
        %add3A_143 = arith.constant 0 : i32
        %add3A_144 = arith.addi %add3A_143, %mul3A_142 : i32
        %get3A = arith.index_cast %add3A_144 : i32 to index
        %get3A_145 = arith.constant 128 : index
        %get3A_146 = tpu.vector_load %arg15[%get3A, %get3A_145] {strides = array<i32>} : memref<64x144xf32, #tpu.memory_space<vmem>>, vector<16xf32>,
        %get3A_147 = arith.index_cast %add3A_144 : i32 to index
        %get3A_148 = arith.constant 0 : index
        %get3A_149 = tpu.vector_load %arg15[%get3A_147, %get3A_148] {strides = array<i32>} : memref<64x144xf32, #tpu.memory_space<vmem>>, vector<16xf32>,
        %mul3A_150 = arith.mulf %get3A_149, %get3A_146 : vector<16xf32>
        %swap3A = arith.index_cast %add3A_144 : i32 to index
        %swap3A_151 = arith.constant 0 : index
        %swap3A_152 = tpu.vector_load %arg15[%swap3A, %swap3A_151] {strides = array<i32>} : memref<64x144xf32, #tpu.memory_space<vmem>>, vector<16xf32>,
        tpu.vector_store %arg15[%swap3A, %swap3A_151], %mul3A_150 {strides = array<i32>} : memref<64x144xf32, #tpu.memory_space<vmem>>, vector<16xf32>,
        %get3A_153 = arith.index_cast %add3A_144 : i32 to index
        %get3A_154 = arith.constant 16 : index
        %get3A_155 = tpu.vector_load %arg15[%get3A_153, %get3A_154] {strides = array<i32>} : memref<64x144xf32, #tpu.memory_space<vmem>>, vector<16xf32>,
        %mul3A_156 = arith.mulf %get3A_155, %get3A_146 : vector<16xf32>
        %swap3A_157 = arith.index_cast %add3A_144 : i32 to index
        %swap3A_158 = arith.constant 16 : index
        %swap3A_159 = tpu.vector_load %arg15[%swap3A_157, %swap3A_158] {strides = array<i32>} : memref<64x144xf32, #tpu.memory_space<vmem>>, vector<16xf32>,
        tpu.vector_store %arg15[%swap3A_157, %swap3A_158], %mul3A_156 {strides = array<i32>} : memref<64x144xf32, #tpu.memory_space<vmem>>, vector<16xf32>,
        %get3A_160 = arith.index_cast %add3A_144 : i32 to index
        %get3A_161 = arith.constant 32 : index
        %get3A_162 = tpu.vector_load %arg15[%get3A_160, %get3A_161] {strides = array<i32>} : memref<64x144xf32, #tpu.memory_space<vmem>>, vector<16xf32>,
        %mul3A_163 = arith.mulf %get3A_162, %get3A_146 : vector<16xf32>
        %swap3A_164 = arith.index_cast %add3A_144 : i32 to index
        %swap3A_165 = arith.constant 32 : index
        %swap3A_166 = tpu.vector_load %arg15[%swap3A_164, %swap3A_165] {strides = array<i32>} : memref<64x144xf32, #tpu.memory_space<vmem>>, vector<16xf32>,
        tpu.vector_store %arg15[%swap3A_164, %swap3A_165], %mul3A_163 {strides = array<i32>} : memref<64x144xf32, #tpu.memory_space<vmem>>, vector<16xf32>,
        %get3A_167 = arith.index_cast %add3A_144 : i32 to index
        %get3A_168 = arith.constant 48 : index
        %get3A_169 = tpu.vector_load %arg15[%get3A_167, %get3A_168] {strides = array<i32>} : memref<64x144xf32, #tpu.memory_space<vmem>>, vector<16xf32>,
        %mul3A_170 = arith.mulf %get3A_169, %get3A_146 : vector<16xf32>
        %swap3A_171 = arith.index_cast %add3A_144 : i32 to index
        %swap3A_172 = arith.constant 48 : index
        %swap3A_173 = tpu.vector_load %arg15[%swap3A_171, %swap3A_172] {strides = array<i32>} : memref<64x144xf32, #tpu.memory_space<vmem>>, vector<16xf32>,
        tpu.vector_store %arg15[%swap3A_171, %swap3A_172], %mul3A_170 {strides = array<i32>} : memref<64x144xf32, #tpu.memory_space<vmem>>, vector<16xf32>,
        %get3A_174 = arith.index_cast %add3A_144 : i32 to index
        %get3A_175 = arith.constant 64 : index
        %get3A_176 = tpu.vector_load %arg15[%get3A_174, %get3A_175] {strides = array<i32>} : memref<64x144xf32, #tpu.memory_space<vmem>>, vector<16xf32>,
        %mul3A_177 = arith.mulf %get3A_176, %get3A_146 : vector<16xf32>
        %swap3A_178 = arith.index_cast %add3A_144 : i32 to index
        %swap3A_179 = arith.constant 64 : index
        %swap3A_180 = tpu.vector_load %arg15[%swap3A_178, %swap3A_179] {strides = array<i32>} : memref<64x144xf32, #tpu.memory_space<vmem>>, vector<16xf32>,
        tpu.vector_store %arg15[%swap3A_178, %swap3A_179], %mul3A_177 {strides = array<i32>} : memref<64x144xf32, #tpu.memory_space<vmem>>, vector<16xf32>,
        %get3A_181 = arith.index_cast %add3A_144 : i32 to index
        %get3A_182 = arith.constant 80 : index
        %get3A_183 = tpu.vector_load %arg15[%get3A_181, %get3A_182] {strides = array<i32>} : memref<64x144xf32, #tpu.memory_space<vmem>>, vector<16xf32>,
        %mul3A_184 = arith.mulf %get3A_183, %get3A_146 : vector<16xf32>
        %swap3A_185 = arith.index_cast %add3A_144 : i32 to index
        %swap3A_186 = arith.constant 80 : index
        %swap3A_187 = tpu.vector_load %arg15[%swap3A_185, %swap3A_186] {strides = array<i32>} : memref<64x144xf32, #tpu.memory_space<vmem>>, vector<16xf32>,
        tpu.vector_store %arg15[%swap3A_185, %swap3A_186], %mul3A_184 {strides = array<i32>} : memref<64x144xf32, #tpu.memory_space<vmem>>, vector<16xf32>,
        %get3A_188 = arith.index_cast %add3A_144 : i32 to index
        %get3A_189 = arith.constant 96 : index
        %get3A_190 = tpu.vector_load %arg15[%get3A_188, %get3A_189] {strides = array<i32>} : memref<64x144xf32, #tpu.memory_space<vmem>>, vector<16xf32>,
        %mul3A_191 = arith.mulf %get3A_190, %get3A_146 : vector<16xf32>
        %swap3A_192 = arith.index_cast %add3A_144 : i32 to index
        %swap3A_193 = arith.constant 96 : index
        %swap3A_194 = tpu.vector_load %arg15[%swap3A_192, %swap3A_193] {strides = array<i32>} : memref<64x144xf32, #tpu.memory_space<vmem>>, vector<16xf32>,
        tpu.vector_store %arg15[%swap3A_192, %swap3A_193], %mul3A_191 {strides = array<i32>} : memref<64x144xf32, #tpu.memory_space<vmem>>, vector<16xf32>,
        %get3A_195 = arith.index_cast %add3A_144 : i32 to index
        %get3A_196 = arith.constant 112 : index
        %get3A_197 = tpu.vector_load %arg15[%get3A_195, %get3A_196] {strides = array<i32>} : memref<64x144xf32, #tpu.memory_space<vmem>>, vector<16xf32>,
        %mul3A_198 = arith.mulf %get3A_197, %get3A_146 : vector<16xf32>
        %swap3A_199 = arith.index_cast %add3A_144 : i32 to index
        %swap3A_200 = arith.constant 112 : index
        %swap3A_201 = tpu.vector_load %arg15[%swap3A_199, %swap3A_200] {strides = array<i32>} : memref<64x144xf32, #tpu.memory_space<vmem>>, vector<16xf32>,
        tpu.vector_store %arg15[%swap3A_199, %swap3A_200], %mul3A_198 {strides = array<i32>} : memref<64x144xf32, #tpu.memory_space<vmem>>, vector<16xf32>,
        %broadcast_in_dim3A = arith.constant 0.000000e+00 : f32
        %broadcast_in_dim3A_202 = vector.broadcast %broadcast_in_dim3A : f32 to vector<16xf32>
        %select_n3A = arith.select %eq3A_6, %get3A_146, %broadcast_in_dim3A_202 : vector<16xi1>, vector<16xf32>
        %swap3A_203 = arith.index_cast %add3A_144 : i32 to index
        %swap3A_204 = arith.constant 128 : index
        %swap3A_205 = tpu.vector_load %arg15[%swap3A_203, %swap3A_204] {strides = array<i32>} : memref<64x144xf32, #tpu.memory_space<vmem>>, vector<16xf32>,
        tpu.vector_store %arg15[%swap3A_203, %swap3A_204], %select_n3A {strides = array<i32>} : memref<64x144xf32, #tpu.memory_space<vmem>>, vector<16xf32>,
      }
      %scan3A_139 = arith.constant 64 : i32
      "tpu.region"() ({
        %run_scoped3A = tpu.sem_alloc : memref<!tpu.dma_semaphore, #tpu.memory_space<semaphore_mem>>
        %dma_start3A_140 = arith.constant 0 : i32
        %dma_start3A_141 = arith.constant 0 : i32
        %dma_start3A_142 = tpu.memref_slice %arg15[%dma_start3A_140, %dma_start3A_141] : memref<64x144xf32, #tpu.memory_space<vmem>> -> memref<64x144xf32, #tpu.memory_space<vmem>>
        %dma_start3A_143 = arith.constant 0 : i32
        %dma_start3A_144 = tpu.memref_slice %arg10[%dma_start3A_143] : memref<64xi32, #tpu.memory_space<vmem>> -> memref<64xi32, #tpu.memory_space<vmem>>
        %dma_start3A_145 = arith.constant 0 : i32
        %dma_start3A_146 = arith.constant 0 : i32
        %dma_start3A_147 = tpu.memref_slice %arg16[%dma_start3A_145, %dma_start3A_146] : memref<10000x144xf32, #tpu.memory_space<vmem_shared>> -> memref<10000x144xf32, #tpu.memory_space<vmem_shared>>
        tpu.enqueue_indirect_dma source(%dma_start3A_142 : memref<64x144xf32, #tpu.memory_space<vmem>>) target(%dma_start3A_147 : memref<10000x144xf32, #tpu.memory_space<vmem_shared>>) offsets(%dma_start3A_144 : memref<64xi32, #tpu.memory_space<vmem>>) semaphore(%run_scoped3A : memref<!tpu.dma_semaphore, #tpu.memory_space<semaphore_mem>>) {add = true}
        %dma_wait3A_148 = arith.constant 0 : i32
        %dma_wait3A_149 = arith.constant 0 : i32
        %dma_wait3A_150 = tpu.memref_slice %arg15[%dma_wait3A_148, %dma_wait3A_149] : memref<64x144xf32, #tpu.memory_space<vmem>> -> memref<64x144xf32, #tpu.memory_space<vmem>>
        %dma_wait3A_151 = arith.constant 0 : i32
        %dma_wait3A_152 = tpu.memref_slice %arg10[%dma_wait3A_151] : memref<64xi32, #tpu.memory_space<vmem>> -> memref<64xi32, #tpu.memory_space<vmem>>
        %dma_wait3A_153 = arith.constant 0 : i32
        %dma_wait3A_154 = arith.constant 0 : i32
        %dma_wait3A_155 = tpu.memref_slice %arg16[%dma_wait3A_153, %dma_wait3A_154] : memref<10000x144xf32, #tpu.memory_space<vmem_shared>> -> memref<10000x144xf32, #tpu.memory_space<vmem_shared>>
        tpu.wait_indirect_dma semaphore(%run_scoped3A : memref<!tpu.dma_semaphore, #tpu.memory_space<semaphore_mem>>) src(%dma_wait3A_150 : memref<64x144xf32, #tpu.memory_space<vmem>>) dst(%dma_wait3A_155 : memref<10000x144xf32, #tpu.memory_space<vmem_shared>>)
        tpu.yield
      }) : () -> ()
    }
    %scan3A_10 = arith.constant 156 : i32
    %add3A_11 = arith.constant 9984 : i32
    %add3A_12 = arith.addi %mul3A_4, %add3A_11 : i32
    "tpu.region"() ({
      %run_scoped3A = tpu.sem_alloc : memref<!tpu.dma_semaphore, #tpu.memory_space<semaphore_mem>>
      %dma_start3A_74 = arith.constant 0 : i32
      %dma_start3A_75 = tpu.memref_slice %arg9[%dma_start3A_74] : memref<64xi32, #tpu.memory_space<vmem>> -> memref<16xi32, #tpu.memory_space<vmem>>
      %dma_start3A_76 = tpu.memref_slice %arg4[%add3A_12] : memref<320000xi32, #tpu.memory_space<hbm>> -> memref<16xi32, #tpu.memory_space<hbm>>
      %dma_start3A_77 = arith.constant 0 : i32
      %dma_start3A_78 = tpu.memref_slice %arg9[%dma_start3A_77] : memref<64xi32, #tpu.memory_space<vmem>> -> memref<16xi32, #tpu.memory_space<vmem>>
      %dma_start3A_79 = tpu.memref_slice %arg4[%add3A_12] : memref<320000xi32, #tpu.memory_space<hbm>> -> memref<16xi32, #tpu.memory_space<hbm>>
      tpu.enqueue_dma source(%dma_start3A_79 : memref<16xi32, #tpu.memory_space<hbm>>) target(%dma_start3A_78 : memref<16xi32, #tpu.memory_space<vmem>>) target_semaphore(%run_scoped3A : memref<!tpu.dma_semaphore, #tpu.memory_space<semaphore_mem>>)
      %dma_wait3A_80 = arith.constant 0 : i32
      %dma_wait3A_81 = tpu.memref_slice %arg9[%dma_wait3A_80] : memref<64xi32, #tpu.memory_space<vmem>> -> memref<16xi32, #tpu.memory_space<vmem>>
      %dma_wait3A_82 = tpu.memref_slice %arg4[%add3A_12] : memref<320000xi32, #tpu.memory_space<hbm>> -> memref<16xi32, #tpu.memory_space<hbm>>
      %dma_wait3A_83 = arith.constant 0 : i32
      %dma_wait3A_84 = tpu.memref_slice %arg9[%dma_wait3A_83] : memref<64xi32, #tpu.memory_space<vmem>> -> memref<16xi32, #tpu.memory_space<vmem>>
      %dma_wait3A_85 = tpu.memref_slice %arg4[%add3A_12] : memref<320000xi32, #tpu.memory_space<hbm>> -> memref<16xi32, #tpu.memory_space<hbm>>
      tpu.wait_dma2 semaphore(%run_scoped3A : memref<!tpu.dma_semaphore, #tpu.memory_space<semaphore_mem>>) src(%dma_wait3A_85 : memref<16xi32, #tpu.memory_space<hbm>>) dst(%dma_wait3A_84 : memref<16xi32, #tpu.memory_space<vmem>>)
      tpu.yield
    }) : () -> ()
    "tpu.region"() ({
      %run_scoped3A = tpu.sem_alloc : memref<!tpu.dma_semaphore, #tpu.memory_space<semaphore_mem>>
      %dma_start3A_74 = arith.constant 0 : i32
      %dma_start3A_75 = tpu.memref_slice %arg10[%dma_start3A_74] : memref<64xi32, #tpu.memory_space<vmem>> -> memref<16xi32, #tpu.memory_space<vmem>>
      %dma_start3A_76 = tpu.memref_slice %arg5[%add3A_12] : memref<320000xi32, #tpu.memory_space<hbm>> -> memref<16xi32, #tpu.memory_space<hbm>>
      %dma_start3A_77 = arith.constant 0 : i32
      %dma_start3A_78 = tpu.memref_slice %arg10[%dma_start3A_77] : memref<64xi32, #tpu.memory_space<vmem>> -> memref<16xi32, #tpu.memory_space<vmem>>
      %dma_start3A_79 = tpu.memref_slice %arg5[%add3A_12] : memref<320000xi32, #tpu.memory_space<hbm>> -> memref<16xi32, #tpu.memory_space<hbm>>
      tpu.enqueue_dma source(%dma_start3A_79 : memref<16xi32, #tpu.memory_space<hbm>>) target(%dma_start3A_78 : memref<16xi32, #tpu.memory_space<vmem>>) target_semaphore(%run_scoped3A : memref<!tpu.dma_semaphore, #tpu.memory_space<semaphore_mem>>)
      %dma_wait3A_80 = arith.constant 0 : i32
      %dma_wait3A_81 = tpu.memref_slice %arg10[%dma_wait3A_80] : memref<64xi32, #tpu.memory_space<vmem>> -> memref<16xi32, #tpu.memory_space<vmem>>
      %dma_wait3A_82 = tpu.memref_slice %arg5[%add3A_12] : memref<320000xi32, #tpu.memory_space<hbm>> -> memref<16xi32, #tpu.memory_space<hbm>>
      %dma_wait3A_83 = arith.constant 0 : i32
      %dma_wait3A_84 = tpu.memref_slice %arg10[%dma_wait3A_83] : memref<64xi32, #tpu.memory_space<vmem>> -> memref<16xi32, #tpu.memory_space<vmem>>
      %dma_wait3A_85 = tpu.memref_slice %arg5[%add3A_12] : memref<320000xi32, #tpu.memory_space<hbm>> -> memref<16xi32, #tpu.memory_space<hbm>>
      tpu.wait_dma2 semaphore(%run_scoped3A : memref<!tpu.dma_semaphore, #tpu.memory_space<semaphore_mem>>) src(%dma_wait3A_85 : memref<16xi32, #tpu.memory_space<hbm>>) dst(%dma_wait3A_84 : memref<16xi32, #tpu.memory_space<vmem>>)
      tpu.yield
    }) : () -> ()
    "tpu.region"() ({
      %run_scoped3A = tpu.sem_alloc : memref<!tpu.dma_semaphore, #tpu.memory_space<semaphore_mem>>
      %dma_start3A_74 = arith.constant 0 : i32
      %dma_start3A_75 = tpu.memref_slice %arg11[%dma_start3A_74] : memref<64xi32, #tpu.memory_space<vmem>> -> memref<16xi32, #tpu.memory_space<vmem>>
      %dma_start3A_76 = tpu.memref_slice %arg6[%add3A_12] : memref<320000xi32, #tpu.memory_space<hbm>> -> memref<16xi32, #tpu.memory_space<hbm>>
      %dma_start3A_77 = arith.constant 0 : i32
      %dma_start3A_78 = tpu.memref_slice %arg11[%dma_start3A_77] : memref<64xi32, #tpu.memory_space<vmem>> -> memref<16xi32, #tpu.memory_space<vmem>>
      %dma_start3A_79 = tpu.memref_slice %arg6[%add3A_12] : memref<320000xi32, #tpu.memory_space<hbm>> -> memref<16xi32, #tpu.memory_space<hbm>>
      tpu.enqueue_dma source(%dma_start3A_79 : memref<16xi32, #tpu.memory_space<hbm>>) target(%dma_start3A_78 : memref<16xi32, #tpu.memory_space<vmem>>) target_semaphore(%run_scoped3A : memref<!tpu.dma_semaphore, #tpu.memory_space<semaphore_mem>>)
      %dma_wait3A_80 = arith.constant 0 : i32
      %dma_wait3A_81 = tpu.memref_slice %arg11[%dma_wait3A_80] : memref<64xi32, #tpu.memory_space<vmem>> -> memref<16xi32, #tpu.memory_space<vmem>>
      %dma_wait3A_82 = tpu.memref_slice %arg6[%add3A_12] : memref<320000xi32, #tpu.memory_space<hbm>> -> memref<16xi32, #tpu.memory_space<hbm>>
      %dma_wait3A_83 = arith.constant 0 : i32
      %dma_wait3A_84 = tpu.memref_slice %arg11[%dma_wait3A_83] : memref<64xi32, #tpu.memory_space<vmem>> -> memref<16xi32, #tpu.memory_space<vmem>>
      %dma_wait3A_85 = tpu.memref_slice %arg6[%add3A_12] : memref<320000xi32, #tpu.memory_space<hbm>> -> memref<16xi32, #tpu.memory_space<hbm>>
      tpu.wait_dma2 semaphore(%run_scoped3A : memref<!tpu.dma_semaphore, #tpu.memory_space<semaphore_mem>>) src(%dma_wait3A_85 : memref<16xi32, #tpu.memory_space<hbm>>) dst(%dma_wait3A_84 : memref<16xi32, #tpu.memory_space<vmem>>)
      tpu.yield
    }) : () -> ()
    %dma_start3A = arith.constant 0 : i32
    %dma_start3A_13 = arith.constant 0 : i32
    %dma_start3A_14 = tpu.memref_slice %arg12[%dma_start3A, %dma_start3A_13] : memref<64x128xf32, #tpu.memory_space<vmem>> -> memref<16x128xf32, #tpu.memory_space<vmem>>
    %dma_start3A_15 = arith.constant 0 : i32
    %dma_start3A_16 = tpu.memref_slice %arg9[%dma_start3A_15] : memref<64xi32, #tpu.memory_space<vmem>> -> memref<16xi32, #tpu.memory_space<vmem>>
    %dma_start3A_17 = arith.constant 0 : i32
    %dma_start3A_18 = arith.constant 0 : i32
    %dma_start3A_19 = tpu.memref_slice %arg2[%dma_start3A_17, %dma_start3A_18] : memref<10000x128xf32, #tpu.memory_space<hbm>> -> memref<10000x128xf32, #tpu.memory_space<hbm>>
    tpu.enqueue_indirect_dma source(%dma_start3A_19 : memref<10000x128xf32, #tpu.memory_space<hbm>>) target(%dma_start3A_14 : memref<16x128xf32, #tpu.memory_space<vmem>>) offsets(%dma_start3A_16 : memref<16xi32, #tpu.memory_space<vmem>>) semaphore(%arg17 : memref<!tpu.dma_semaphore, #tpu.memory_space<semaphore_mem>>)
    %dma_start3A_20 = arith.constant 0 : i32
    %dma_start3A_21 = arith.constant 0 : i32
    %dma_start3A_22 = tpu.memref_slice %arg13[%dma_start3A_20, %dma_start3A_21] : memref<64x128xf32, #tpu.memory_space<vmem>> -> memref<16x128xf32, #tpu.memory_space<vmem>>
    %dma_start3A_23 = arith.constant 0 : i32
    %dma_start3A_24 = tpu.memref_slice %arg11[%dma_start3A_23] : memref<64xi32, #tpu.memory_space<vmem>> -> memref<16xi32, #tpu.memory_space<vmem>>
    %dma_start3A_25 = arith.constant 0 : i32
    %dma_start3A_26 = arith.constant 0 : i32
    %dma_start3A_27 = tpu.memref_slice %arg3[%dma_start3A_25, %dma_start3A_26] : memref<1000x128xf32, #tpu.memory_space<hbm>> -> memref<1000x128xf32, #tpu.memory_space<hbm>>
    tpu.enqueue_indirect_dma source(%dma_start3A_27 : memref<1000x128xf32, #tpu.memory_space<hbm>>) target(%dma_start3A_22 : memref<16x128xf32, #tpu.memory_space<vmem>>) offsets(%dma_start3A_24 : memref<16xi32, #tpu.memory_space<vmem>>) semaphore(%arg17 : memref<!tpu.dma_semaphore, #tpu.memory_space<semaphore_mem>>)
    %dma_start3A_28 = arith.constant 0 : i32
    %dma_start3A_29 = arith.constant 0 : i32
    %dma_start3A_30 = tpu.memref_slice %arg14[%dma_start3A_28, %dma_start3A_29] : memref<64x128xf32, #tpu.memory_space<vmem>> -> memref<16x128xf32, #tpu.memory_space<vmem>>
    %dma_start3A_31 = arith.constant 0 : i32
    %dma_start3A_32 = tpu.memref_slice %arg10[%dma_start3A_31] : memref<64xi32, #tpu.memory_space<vmem>> -> memref<16xi32, #tpu.memory_space<vmem>>
    %dma_start3A_33 = arith.constant 0 : i32
    %dma_start3A_34 = arith.constant 0 : i32
    %dma_start3A_35 = tpu.memref_slice %arg2[%dma_start3A_33, %dma_start3A_34] : memref<10000x128xf32, #tpu.memory_space<hbm>> -> memref<10000x128xf32, #tpu.memory_space<hbm>>
    tpu.enqueue_indirect_dma source(%dma_start3A_35 : memref<10000x128xf32, #tpu.memory_space<hbm>>) target(%dma_start3A_30 : memref<16x128xf32, #tpu.memory_space<vmem>>) offsets(%dma_start3A_32 : memref<16xi32, #tpu.memory_space<vmem>>) semaphore(%arg17 : memref<!tpu.dma_semaphore, #tpu.memory_space<semaphore_mem>>)
    %dma_wait3A = arith.constant 0 : i32
    %dma_wait3A_36 = arith.constant 0 : i32
    %dma_wait3A_37 = tpu.memref_slice %arg12[%dma_wait3A, %dma_wait3A_36] : memref<64x128xf32, #tpu.memory_space<vmem>> -> memref<16x128xf32, #tpu.memory_space<vmem>>
    %dma_wait3A_38 = arith.constant 0 : i32
    %dma_wait3A_39 = tpu.memref_slice %arg9[%dma_wait3A_38] : memref<64xi32, #tpu.memory_space<vmem>> -> memref<16xi32, #tpu.memory_space<vmem>>
    %dma_wait3A_40 = arith.constant 0 : i32
    %dma_wait3A_41 = arith.constant 0 : i32
    %dma_wait3A_42 = tpu.memref_slice %arg2[%dma_wait3A_40, %dma_wait3A_41] : memref<10000x128xf32, #tpu.memory_space<hbm>> -> memref<10000x128xf32, #tpu.memory_space<hbm>>
    tpu.wait_indirect_dma semaphore(%arg17 : memref<!tpu.dma_semaphore, #tpu.memory_space<semaphore_mem>>) src(%dma_wait3A_42 : memref<10000x128xf32, #tpu.memory_space<hbm>>) dst(%dma_wait3A_37 : memref<16x128xf32, #tpu.memory_space<vmem>>)
    %dma_wait3A_43 = arith.constant 0 : i32
    %dma_wait3A_44 = arith.constant 0 : i32
    %dma_wait3A_45 = tpu.memref_slice %arg13[%dma_wait3A_43, %dma_wait3A_44] : memref<64x128xf32, #tpu.memory_space<vmem>> -> memref<16x128xf32, #tpu.memory_space<vmem>>
    %dma_wait3A_46 = arith.constant 0 : i32
    %dma_wait3A_47 = tpu.memref_slice %arg11[%dma_wait3A_46] : memref<64xi32, #tpu.memory_space<vmem>> -> memref<16xi32, #tpu.memory_space<vmem>>
    %dma_wait3A_48 = arith.constant 0 : i32
    %dma_wait3A_49 = arith.constant 0 : i32
    %dma_wait3A_50 = tpu.memref_slice %arg3[%dma_wait3A_48, %dma_wait3A_49] : memref<1000x128xf32, #tpu.memory_space<hbm>> -> memref<1000x128xf32, #tpu.memory_space<hbm>>
    tpu.wait_indirect_dma semaphore(%arg17 : memref<!tpu.dma_semaphore, #tpu.memory_space<semaphore_mem>>) src(%dma_wait3A_50 : memref<1000x128xf32, #tpu.memory_space<hbm>>) dst(%dma_wait3A_45 : memref<16x128xf32, #tpu.memory_space<vmem>>)
    %dma_wait3A_51 = arith.constant 0 : i32
    %dma_wait3A_52 = arith.constant 0 : i32
    %dma_wait3A_53 = tpu.memref_slice %arg14[%dma_wait3A_51, %dma_wait3A_52] : memref<64x128xf32, #tpu.memory_space<vmem>> -> memref<16x128xf32, #tpu.memory_space<vmem>>
    %dma_wait3A_54 = arith.constant 0 : i32
    %dma_wait3A_55 = tpu.memref_slice %arg10[%dma_wait3A_54] : memref<64xi32, #tpu.memory_space<vmem>> -> memref<16xi32, #tpu.memory_space<vmem>>
    %dma_wait3A_56 = arith.constant 0 : i32
    %dma_wait3A_57 = arith.constant 0 : i32
    %dma_wait3A_58 = tpu.memref_slice %arg2[%dma_wait3A_56, %dma_wait3A_57] : memref<10000x128xf32, #tpu.memory_space<hbm>> -> memref<10000x128xf32, #tpu.memory_space<hbm>>
    tpu.wait_indirect_dma semaphore(%arg17 : memref<!tpu.dma_semaphore, #tpu.memory_space<semaphore_mem>>) src(%dma_wait3A_58 : memref<10000x128xf32, #tpu.memory_space<hbm>>) dst(%dma_wait3A_53 : memref<16x128xf32, #tpu.memory_space<vmem>>)
    %scan3A_59 = arith.constant 0 : i32
    %scan3A_60 = arith.constant 16 : i32
    %scan3A_61 = arith.addi %scan3A_59, %scan3A_60 : i32
    %scan3A_62 = arith.constant 1 : i32
    scf.for %scan3A_74 = %scan3A_59 to %scan3A_61 step %scan3A_62  : i32 {
      %mul3A_75 = arith.constant 1 : i32
      %mul3A_76 = arith.muli %scan3A_74, %mul3A_75 : i32
      %add3A_77 = arith.constant 0 : i32
      %add3A_78 = arith.addi %add3A_77, %mul3A_76 : i32
      %broadcast_in_dim3A = arith.constant 0.000000e+00 : f32
      %broadcast_in_dim3A_79 = vector.broadcast %broadcast_in_dim3A : f32 to vector<16xf32>
      %get3A = arith.index_cast %add3A_78 : i32 to index
      %get3A_80 = arith.constant 0 : index
      %get3A_81 = tpu.vector_load %arg12[%get3A, %get3A_80] {strides = array<i32>} : memref<64x128xf32, #tpu.memory_space<vmem>>, vector<16xf32>,
      %get3A_82 = arith.index_cast %add3A_78 : i32 to index
      %get3A_83 = arith.constant 0 : index
      %get3A_84 = tpu.vector_load %arg13[%get3A_82, %get3A_83] {strides = array<i32>} : memref<64x128xf32, #tpu.memory_space<vmem>>, vector<16xf32>,
      %mul3A_85 = arith.mulf %get3A_81, %get3A_84 : vector<16xf32>
      %swap3A = arith.index_cast %add3A_78 : i32 to index
      %swap3A_86 = arith.constant 0 : index
      %swap3A_87 = tpu.vector_load %arg15[%swap3A, %swap3A_86] {strides = array<i32>} : memref<64x144xf32, #tpu.memory_space<vmem>>, vector<16xf32>,
      tpu.vector_store %arg15[%swap3A, %swap3A_86], %mul3A_85 {strides = array<i32>} : memref<64x144xf32, #tpu.memory_space<vmem>>, vector<16xf32>,
      %get3A_88 = arith.index_cast %add3A_78 : i32 to index
      %get3A_89 = arith.constant 0 : index
      %get3A_90 = tpu.vector_load %arg14[%get3A_88, %get3A_89] {strides = array<i32>} : memref<64x128xf32, #tpu.memory_space<vmem>>, vector<16xf32>,
      %mul3A_91 = arith.mulf %mul3A_85, %get3A_90 : vector<16xf32>
      %add3A_92 = arith.addf %broadcast_in_dim3A_79, %mul3A_91 : vector<16xf32>
      %get3A_93 = arith.index_cast %add3A_78 : i32 to index
      %get3A_94 = arith.constant 16 : index
      %get3A_95 = tpu.vector_load %arg12[%get3A_93, %get3A_94] {strides = array<i32>} : memref<64x128xf32, #tpu.memory_space<vmem>>, vector<16xf32>,
      %get3A_96 = arith.index_cast %add3A_78 : i32 to index
      %get3A_97 = arith.constant 16 : index
      %get3A_98 = tpu.vector_load %arg13[%get3A_96, %get3A_97] {strides = array<i32>} : memref<64x128xf32, #tpu.memory_space<vmem>>, vector<16xf32>,
      %mul3A_99 = arith.mulf %get3A_95, %get3A_98 : vector<16xf32>
      %swap3A_100 = arith.index_cast %add3A_78 : i32 to index
      %swap3A_101 = arith.constant 16 : index
      %swap3A_102 = tpu.vector_load %arg15[%swap3A_100, %swap3A_101] {strides = array<i32>} : memref<64x144xf32, #tpu.memory_space<vmem>>, vector<16xf32>,
      tpu.vector_store %arg15[%swap3A_100, %swap3A_101], %mul3A_99 {strides = array<i32>} : memref<64x144xf32, #tpu.memory_space<vmem>>, vector<16xf32>,
      %get3A_103 = arith.index_cast %add3A_78 : i32 to index
      %get3A_104 = arith.constant 16 : index
      %get3A_105 = tpu.vector_load %arg14[%get3A_103, %get3A_104] {strides = array<i32>} : memref<64x128xf32, #tpu.memory_space<vmem>>, vector<16xf32>,
      %mul3A_106 = arith.mulf %mul3A_99, %get3A_105 : vector<16xf32>
      %add3A_107 = arith.addf %add3A_92, %mul3A_106 : vector<16xf32>
      %get3A_108 = arith.index_cast %add3A_78 : i32 to index
      %get3A_109 = arith.constant 32 : index
      %get3A_110 = tpu.vector_load %arg12[%get3A_108, %get3A_109] {strides = array<i32>} : memref<64x128xf32, #tpu.memory_space<vmem>>, vector<16xf32>,
      %get3A_111 = arith.index_cast %add3A_78 : i32 to index
      %get3A_112 = arith.constant 32 : index
      %get3A_113 = tpu.vector_load %arg13[%get3A_111, %get3A_112] {strides = array<i32>} : memref<64x128xf32, #tpu.memory_space<vmem>>, vector<16xf32>,
      %mul3A_114 = arith.mulf %get3A_110, %get3A_113 : vector<16xf32>
      %swap3A_115 = arith.index_cast %add3A_78 : i32 to index
      %swap3A_116 = arith.constant 32 : index
      %swap3A_117 = tpu.vector_load %arg15[%swap3A_115, %swap3A_116] {strides = array<i32>} : memref<64x144xf32, #tpu.memory_space<vmem>>, vector<16xf32>,
      tpu.vector_store %arg15[%swap3A_115, %swap3A_116], %mul3A_114 {strides = array<i32>} : memref<64x144xf32, #tpu.memory_space<vmem>>, vector<16xf32>,
      %get3A_118 = arith.index_cast %add3A_78 : i32 to index
      %get3A_119 = arith.constant 32 : index
      %get3A_120 = tpu.vector_load %arg14[%get3A_118, %get3A_119] {strides = array<i32>} : memref<64x128xf32, #tpu.memory_space<vmem>>, vector<16xf32>,
      %mul3A_121 = arith.mulf %mul3A_114, %get3A_120 : vector<16xf32>
      %add3A_122 = arith.addf %add3A_107, %mul3A_121 : vector<16xf32>
      %get3A_123 = arith.index_cast %add3A_78 : i32 to index
      %get3A_124 = arith.constant 48 : index
      %get3A_125 = tpu.vector_load %arg12[%get3A_123, %get3A_124] {strides = array<i32>} : memref<64x128xf32, #tpu.memory_space<vmem>>, vector<16xf32>,
      %get3A_126 = arith.index_cast %add3A_78 : i32 to index
      %get3A_127 = arith.constant 48 : index
      %get3A_128 = tpu.vector_load %arg13[%get3A_126, %get3A_127] {strides = array<i32>} : memref<64x128xf32, #tpu.memory_space<vmem>>, vector<16xf32>,
      %mul3A_129 = arith.mulf %get3A_125, %get3A_128 : vector<16xf32>
      %swap3A_130 = arith.index_cast %add3A_78 : i32 to index
      %swap3A_131 = arith.constant 48 : index
      %swap3A_132 = tpu.vector_load %arg15[%swap3A_130, %swap3A_131] {strides = array<i32>} : memref<64x144xf32, #tpu.memory_space<vmem>>, vector<16xf32>,
      tpu.vector_store %arg15[%swap3A_130, %swap3A_131], %mul3A_129 {strides = array<i32>} : memref<64x144xf32, #tpu.memory_space<vmem>>, vector<16xf32>,
      %get3A_133 = arith.index_cast %add3A_78 : i32 to index
      %get3A_134 = arith.constant 48 : index
      %get3A_135 = tpu.vector_load %arg14[%get3A_133, %get3A_134] {strides = array<i32>} : memref<64x128xf32, #tpu.memory_space<vmem>>, vector<16xf32>,
      %mul3A_136 = arith.mulf %mul3A_129, %get3A_135 : vector<16xf32>
      %add3A_137 = arith.addf %add3A_122, %mul3A_136 : vector<16xf32>
      %get3A_138 = arith.index_cast %add3A_78 : i32 to index
      %get3A_139 = arith.constant 64 : index
      %get3A_140 = tpu.vector_load %arg12[%get3A_138, %get3A_139] {strides = array<i32>} : memref<64x128xf32, #tpu.memory_space<vmem>>, vector<16xf32>,
      %get3A_141 = arith.index_cast %add3A_78 : i32 to index
      %get3A_142 = arith.constant 64 : index
      %get3A_143 = tpu.vector_load %arg13[%get3A_141, %get3A_142] {strides = array<i32>} : memref<64x128xf32, #tpu.memory_space<vmem>>, vector<16xf32>,
      %mul3A_144 = arith.mulf %get3A_140, %get3A_143 : vector<16xf32>
      %swap3A_145 = arith.index_cast %add3A_78 : i32 to index
      %swap3A_146 = arith.constant 64 : index
      %swap3A_147 = tpu.vector_load %arg15[%swap3A_145, %swap3A_146] {strides = array<i32>} : memref<64x144xf32, #tpu.memory_space<vmem>>, vector<16xf32>,
      tpu.vector_store %arg15[%swap3A_145, %swap3A_146], %mul3A_144 {strides = array<i32>} : memref<64x144xf32, #tpu.memory_space<vmem>>, vector<16xf32>,
      %get3A_148 = arith.index_cast %add3A_78 : i32 to index
      %get3A_149 = arith.constant 64 : index
      %get3A_150 = tpu.vector_load %arg14[%get3A_148, %get3A_149] {strides = array<i32>} : memref<64x128xf32, #tpu.memory_space<vmem>>, vector<16xf32>,
      %mul3A_151 = arith.mulf %mul3A_144, %get3A_150 : vector<16xf32>
      %add3A_152 = arith.addf %add3A_137, %mul3A_151 : vector<16xf32>
      %get3A_153 = arith.index_cast %add3A_78 : i32 to index
      %get3A_154 = arith.constant 80 : index
      %get3A_155 = tpu.vector_load %arg12[%get3A_153, %get3A_154] {strides = array<i32>} : memref<64x128xf32, #tpu.memory_space<vmem>>, vector<16xf32>,
      %get3A_156 = arith.index_cast %add3A_78 : i32 to index
      %get3A_157 = arith.constant 80 : index
      %get3A_158 = tpu.vector_load %arg13[%get3A_156, %get3A_157] {strides = array<i32>} : memref<64x128xf32, #tpu.memory_space<vmem>>, vector<16xf32>,
      %mul3A_159 = arith.mulf %get3A_155, %get3A_158 : vector<16xf32>
      %swap3A_160 = arith.index_cast %add3A_78 : i32 to index
      %swap3A_161 = arith.constant 80 : index
      %swap3A_162 = tpu.vector_load %arg15[%swap3A_160, %swap3A_161] {strides = array<i32>} : memref<64x144xf32, #tpu.memory_space<vmem>>, vector<16xf32>,
      tpu.vector_store %arg15[%swap3A_160, %swap3A_161], %mul3A_159 {strides = array<i32>} : memref<64x144xf32, #tpu.memory_space<vmem>>, vector<16xf32>,
      %get3A_163 = arith.index_cast %add3A_78 : i32 to index
      %get3A_164 = arith.constant 80 : index
      %get3A_165 = tpu.vector_load %arg14[%get3A_163, %get3A_164] {strides = array<i32>} : memref<64x128xf32, #tpu.memory_space<vmem>>, vector<16xf32>,
      %mul3A_166 = arith.mulf %mul3A_159, %get3A_165 : vector<16xf32>
      %add3A_167 = arith.addf %add3A_152, %mul3A_166 : vector<16xf32>
      %get3A_168 = arith.index_cast %add3A_78 : i32 to index
      %get3A_169 = arith.constant 96 : index
      %get3A_170 = tpu.vector_load %arg12[%get3A_168, %get3A_169] {strides = array<i32>} : memref<64x128xf32, #tpu.memory_space<vmem>>, vector<16xf32>,
      %get3A_171 = arith.index_cast %add3A_78 : i32 to index
      %get3A_172 = arith.constant 96 : index
      %get3A_173 = tpu.vector_load %arg13[%get3A_171, %get3A_172] {strides = array<i32>} : memref<64x128xf32, #tpu.memory_space<vmem>>, vector<16xf32>,
      %mul3A_174 = arith.mulf %get3A_170, %get3A_173 : vector<16xf32>
      %swap3A_175 = arith.index_cast %add3A_78 : i32 to index
      %swap3A_176 = arith.constant 96 : index
      %swap3A_177 = tpu.vector_load %arg15[%swap3A_175, %swap3A_176] {strides = array<i32>} : memref<64x144xf32, #tpu.memory_space<vmem>>, vector<16xf32>,
      tpu.vector_store %arg15[%swap3A_175, %swap3A_176], %mul3A_174 {strides = array<i32>} : memref<64x144xf32, #tpu.memory_space<vmem>>, vector<16xf32>,
      %get3A_178 = arith.index_cast %add3A_78 : i32 to index
      %get3A_179 = arith.constant 96 : index
      %get3A_180 = tpu.vector_load %arg14[%get3A_178, %get3A_179] {strides = array<i32>} : memref<64x128xf32, #tpu.memory_space<vmem>>, vector<16xf32>,
      %mul3A_181 = arith.mulf %mul3A_174, %get3A_180 : vector<16xf32>
      %add3A_182 = arith.addf %add3A_167, %mul3A_181 : vector<16xf32>
      %get3A_183 = arith.index_cast %add3A_78 : i32 to index
      %get3A_184 = arith.constant 112 : index
      %get3A_185 = tpu.vector_load %arg12[%get3A_183, %get3A_184] {strides = array<i32>} : memref<64x128xf32, #tpu.memory_space<vmem>>, vector<16xf32>,
      %get3A_186 = arith.index_cast %add3A_78 : i32 to index
      %get3A_187 = arith.constant 112 : index
      %get3A_188 = tpu.vector_load %arg13[%get3A_186, %get3A_187] {strides = array<i32>} : memref<64x128xf32, #tpu.memory_space<vmem>>, vector<16xf32>,
      %mul3A_189 = arith.mulf %get3A_185, %get3A_188 : vector<16xf32>
      %swap3A_190 = arith.index_cast %add3A_78 : i32 to index
      %swap3A_191 = arith.constant 112 : index
      %swap3A_192 = tpu.vector_load %arg15[%swap3A_190, %swap3A_191] {strides = array<i32>} : memref<64x144xf32, #tpu.memory_space<vmem>>, vector<16xf32>,
      tpu.vector_store %arg15[%swap3A_190, %swap3A_191], %mul3A_189 {strides = array<i32>} : memref<64x144xf32, #tpu.memory_space<vmem>>, vector<16xf32>,
      %get3A_193 = arith.index_cast %add3A_78 : i32 to index
      %get3A_194 = arith.constant 112 : index
      %get3A_195 = tpu.vector_load %arg14[%get3A_193, %get3A_194] {strides = array<i32>} : memref<64x128xf32, #tpu.memory_space<vmem>>, vector<16xf32>,
      %mul3A_196 = arith.mulf %mul3A_189, %get3A_195 : vector<16xf32>
      %add3A_197 = arith.addf %add3A_182, %mul3A_196 : vector<16xf32>
      %reduce_sum3A = arith.constant true
      %reduce_sum3A_198 = vector.broadcast %reduce_sum3A : i1 to vector<16xi1>
      %reduce_sum3A_199 = tpu.scan <sum>, %add3A_197 masked %reduce_sum3A_198 : vector<16xf32>, vector<16xi1> -> vector<16xf32>
      %reduce_sum3A_200 = vector.extract %reduce_sum3A_199[15] : f32 from vector<16xf32>
      %broadcast_in_dim3A_201 = vector.broadcast %reduce_sum3A_200 : f32 to vector<16xf32>
      %min3A = arith.constant 7.500000e+01 : f32
      %min3A_202 = vector.broadcast %min3A : f32 to vector<16xf32>
      %min3A_203 = arith.minimumf %broadcast_in_dim3A_201, %min3A_202 : vector<16xf32>
      %exp3A = math.exp %min3A_203 : vector<16xf32>
      %swap3A_204 = arith.index_cast %add3A_78 : i32 to index
      %swap3A_205 = arith.constant 128 : index
      %swap3A_206 = tpu.vector_load %arg15[%swap3A_204, %swap3A_205] {strides = array<i32>} : memref<64x144xf32, #tpu.memory_space<vmem>>, vector<16xf32>,
      tpu.vector_store %arg15[%swap3A_204, %swap3A_205], %exp3A {strides = array<i32>} : memref<64x144xf32, #tpu.memory_space<vmem>>, vector<16xf32>,
    }
    %scan3A_63 = arith.constant 16 : i32
    %scan3A_64 = arith.constant 0 : i32
    %scan3A_65 = arith.constant 16 : i32
    %scan3A_66 = arith.addi %scan3A_64, %scan3A_65 : i32
    %scan3A_67 = arith.constant 1 : i32
    scf.for %scan3A_74 = %scan3A_64 to %scan3A_66 step %scan3A_67  : i32 {
      %mul3A_75 = arith.constant 1 : i32
      %mul3A_76 = arith.muli %scan3A_74, %mul3A_75 : i32
      %add3A_77 = arith.constant 0 : i32
      %add3A_78 = arith.addi %add3A_77, %mul3A_76 : i32
      %get3A = arith.index_cast %add3A_78 : i32 to index
      %get3A_79 = arith.constant 128 : index
      %get3A_80 = tpu.vector_load %arg15[%get3A, %get3A_79] {strides = array<i32>} : memref<64x144xf32, #tpu.memory_space<vmem>>, vector<16xf32>,
      %get3A_81 = arith.index_cast %add3A_78 : i32 to index
      %get3A_82 = arith.constant 0 : index
      %get3A_83 = tpu.vector_load %arg15[%get3A_81, %get3A_82] {strides = array<i32>} : memref<64x144xf32, #tpu.memory_space<vmem>>, vector<16xf32>,
      %mul3A_84 = arith.mulf %get3A_83, %get3A_80 : vector<16xf32>
      %swap3A = arith.index_cast %add3A_78 : i32 to index
      %swap3A_85 = arith.constant 0 : index
      %swap3A_86 = tpu.vector_load %arg15[%swap3A, %swap3A_85] {strides = array<i32>} : memref<64x144xf32, #tpu.memory_space<vmem>>, vector<16xf32>,
      tpu.vector_store %arg15[%swap3A, %swap3A_85], %mul3A_84 {strides = array<i32>} : memref<64x144xf32, #tpu.memory_space<vmem>>, vector<16xf32>,
      %get3A_87 = arith.index_cast %add3A_78 : i32 to index
      %get3A_88 = arith.constant 16 : index
      %get3A_89 = tpu.vector_load %arg15[%get3A_87, %get3A_88] {strides = array<i32>} : memref<64x144xf32, #tpu.memory_space<vmem>>, vector<16xf32>,
      %mul3A_90 = arith.mulf %get3A_89, %get3A_80 : vector<16xf32>
      %swap3A_91 = arith.index_cast %add3A_78 : i32 to index
      %swap3A_92 = arith.constant 16 : index
      %swap3A_93 = tpu.vector_load %arg15[%swap3A_91, %swap3A_92] {strides = array<i32>} : memref<64x144xf32, #tpu.memory_space<vmem>>, vector<16xf32>,
      tpu.vector_store %arg15[%swap3A_91, %swap3A_92], %mul3A_90 {strides = array<i32>} : memref<64x144xf32, #tpu.memory_space<vmem>>, vector<16xf32>,
      %get3A_94 = arith.index_cast %add3A_78 : i32 to index
      %get3A_95 = arith.constant 32 : index
      %get3A_96 = tpu.vector_load %arg15[%get3A_94, %get3A_95] {strides = array<i32>} : memref<64x144xf32, #tpu.memory_space<vmem>>, vector<16xf32>,
      %mul3A_97 = arith.mulf %get3A_96, %get3A_80 : vector<16xf32>
      %swap3A_98 = arith.index_cast %add3A_78 : i32 to index
      %swap3A_99 = arith.constant 32 : index
      %swap3A_100 = tpu.vector_load %arg15[%swap3A_98, %swap3A_99] {strides = array<i32>} : memref<64x144xf32, #tpu.memory_space<vmem>>, vector<16xf32>,
      tpu.vector_store %arg15[%swap3A_98, %swap3A_99], %mul3A_97 {strides = array<i32>} : memref<64x144xf32, #tpu.memory_space<vmem>>, vector<16xf32>,
      %get3A_101 = arith.index_cast %add3A_78 : i32 to index
      %get3A_102 = arith.constant 48 : index
      %get3A_103 = tpu.vector_load %arg15[%get3A_101, %get3A_102] {strides = array<i32>} : memref<64x144xf32, #tpu.memory_space<vmem>>, vector<16xf32>,
      %mul3A_104 = arith.mulf %get3A_103, %get3A_80 : vector<16xf32>
      %swap3A_105 = arith.index_cast %add3A_78 : i32 to index
      %swap3A_106 = arith.constant 48 : index
      %swap3A_107 = tpu.vector_load %arg15[%swap3A_105, %swap3A_106] {strides = array<i32>} : memref<64x144xf32, #tpu.memory_space<vmem>>, vector<16xf32>,
      tpu.vector_store %arg15[%swap3A_105, %swap3A_106], %mul3A_104 {strides = array<i32>} : memref<64x144xf32, #tpu.memory_space<vmem>>, vector<16xf32>,
      %get3A_108 = arith.index_cast %add3A_78 : i32 to index
      %get3A_109 = arith.constant 64 : index
      %get3A_110 = tpu.vector_load %arg15[%get3A_108, %get3A_109] {strides = array<i32>} : memref<64x144xf32, #tpu.memory_space<vmem>>, vector<16xf32>,
      %mul3A_111 = arith.mulf %get3A_110, %get3A_80 : vector<16xf32>
      %swap3A_112 = arith.index_cast %add3A_78 : i32 to index
      %swap3A_113 = arith.constant 64 : index
      %swap3A_114 = tpu.vector_load %arg15[%swap3A_112, %swap3A_113] {strides = array<i32>} : memref<64x144xf32, #tpu.memory_space<vmem>>, vector<16xf32>,
      tpu.vector_store %arg15[%swap3A_112, %swap3A_113], %mul3A_111 {strides = array<i32>} : memref<64x144xf32, #tpu.memory_space<vmem>>, vector<16xf32>,
      %get3A_115 = arith.index_cast %add3A_78 : i32 to index
      %get3A_116 = arith.constant 80 : index
      %get3A_117 = tpu.vector_load %arg15[%get3A_115, %get3A_116] {strides = array<i32>} : memref<64x144xf32, #tpu.memory_space<vmem>>, vector<16xf32>,
      %mul3A_118 = arith.mulf %get3A_117, %get3A_80 : vector<16xf32>
      %swap3A_119 = arith.index_cast %add3A_78 : i32 to index
      %swap3A_120 = arith.constant 80 : index
      %swap3A_121 = tpu.vector_load %arg15[%swap3A_119, %swap3A_120] {strides = array<i32>} : memref<64x144xf32, #tpu.memory_space<vmem>>, vector<16xf32>,
      tpu.vector_store %arg15[%swap3A_119, %swap3A_120], %mul3A_118 {strides = array<i32>} : memref<64x144xf32, #tpu.memory_space<vmem>>, vector<16xf32>,
      %get3A_122 = arith.index_cast %add3A_78 : i32 to index
      %get3A_123 = arith.constant 96 : index
      %get3A_124 = tpu.vector_load %arg15[%get3A_122, %get3A_123] {strides = array<i32>} : memref<64x144xf32, #tpu.memory_space<vmem>>, vector<16xf32>,
      %mul3A_125 = arith.mulf %get3A_124, %get3A_80 : vector<16xf32>
      %swap3A_126 = arith.index_cast %add3A_78 : i32 to index
      %swap3A_127 = arith.constant 96 : index
      %swap3A_128 = tpu.vector_load %arg15[%swap3A_126, %swap3A_127] {strides = array<i32>} : memref<64x144xf32, #tpu.memory_space<vmem>>, vector<16xf32>,
      tpu.vector_store %arg15[%swap3A_126, %swap3A_127], %mul3A_125 {strides = array<i32>} : memref<64x144xf32, #tpu.memory_space<vmem>>, vector<16xf32>,
      %get3A_129 = arith.index_cast %add3A_78 : i32 to index
      %get3A_130 = arith.constant 112 : index
      %get3A_131 = tpu.vector_load %arg15[%get3A_129, %get3A_130] {strides = array<i32>} : memref<64x144xf32, #tpu.memory_space<vmem>>, vector<16xf32>,
      %mul3A_132 = arith.mulf %get3A_131, %get3A_80 : vector<16xf32>
      %swap3A_133 = arith.index_cast %add3A_78 : i32 to index
      %swap3A_134 = arith.constant 112 : index
      %swap3A_135 = tpu.vector_load %arg15[%swap3A_133, %swap3A_134] {strides = array<i32>} : memref<64x144xf32, #tpu.memory_space<vmem>>, vector<16xf32>,
      tpu.vector_store %arg15[%swap3A_133, %swap3A_134], %mul3A_132 {strides = array<i32>} : memref<64x144xf32, #tpu.memory_space<vmem>>, vector<16xf32>,
      %broadcast_in_dim3A = arith.constant 0.000000e+00 : f32
      %broadcast_in_dim3A_136 = vector.broadcast %broadcast_in_dim3A : f32 to vector<16xf32>
      %select_n3A = arith.select %eq3A_6, %get3A_80, %broadcast_in_dim3A_136 : vector<16xi1>, vector<16xf32>
      %swap3A_137 = arith.index_cast %add3A_78 : i32 to index
      %swap3A_138 = arith.constant 128 : index
      %swap3A_139 = tpu.vector_load %arg15[%swap3A_137, %swap3A_138] {strides = array<i32>} : memref<64x144xf32, #tpu.memory_space<vmem>>, vector<16xf32>,
      tpu.vector_store %arg15[%swap3A_137, %swap3A_138], %select_n3A {strides = array<i32>} : memref<64x144xf32, #tpu.memory_space<vmem>>, vector<16xf32>,
    }
    %scan3A_68 = arith.constant 16 : i32
    "tpu.region"() ({
      %run_scoped3A = tpu.sem_alloc : memref<!tpu.dma_semaphore, #tpu.memory_space<semaphore_mem>>
      %dma_start3A_74 = arith.constant 0 : i32
      %dma_start3A_75 = arith.constant 0 : i32
      %dma_start3A_76 = tpu.memref_slice %arg15[%dma_start3A_74, %dma_start3A_75] : memref<64x144xf32, #tpu.memory_space<vmem>> -> memref<16x144xf32, #tpu.memory_space<vmem>>
      %dma_start3A_77 = arith.constant 0 : i32
      %dma_start3A_78 = tpu.memref_slice %arg10[%dma_start3A_77] : memref<64xi32, #tpu.memory_space<vmem>> -> memref<16xi32, #tpu.memory_space<vmem>>
      %dma_start3A_79 = arith.constant 0 : i32
      %dma_start3A_80 = arith.constant 0 : i32
      %dma_start3A_81 = tpu.memref_slice %arg16[%dma_start3A_79, %dma_start3A_80] : memref<10000x144xf32, #tpu.memory_space<vmem_shared>> -> memref<10000x144xf32, #tpu.memory_space<vmem_shared>>
      tpu.enqueue_indirect_dma source(%dma_start3A_76 : memref<16x144xf32, #tpu.memory_space<vmem>>) target(%dma_start3A_81 : memref<10000x144xf32, #tpu.memory_space<vmem_shared>>) offsets(%dma_start3A_78 : memref<16xi32, #tpu.memory_space<vmem>>) semaphore(%run_scoped3A : memref<!tpu.dma_semaphore, #tpu.memory_space<semaphore_mem>>) {add = true}
      %dma_wait3A_82 = arith.constant 0 : i32
      %dma_wait3A_83 = arith.constant 0 : i32
      %dma_wait3A_84 = tpu.memref_slice %arg15[%dma_wait3A_82, %dma_wait3A_83] : memref<64x144xf32, #tpu.memory_space<vmem>> -> memref<16x144xf32, #tpu.memory_space<vmem>>
      %dma_wait3A_85 = arith.constant 0 : i32
      %dma_wait3A_86 = tpu.memref_slice %arg10[%dma_wait3A_85] : memref<64xi32, #tpu.memory_space<vmem>> -> memref<16xi32, #tpu.memory_space<vmem>>
      %dma_wait3A_87 = arith.constant 0 : i32
      %dma_wait3A_88 = arith.constant 0 : i32
      %dma_wait3A_89 = tpu.memref_slice %arg16[%dma_wait3A_87, %dma_wait3A_88] : memref<10000x144xf32, #tpu.memory_space<vmem_shared>> -> memref<10000x144xf32, #tpu.memory_space<vmem_shared>>
      tpu.wait_indirect_dma semaphore(%run_scoped3A : memref<!tpu.dma_semaphore, #tpu.memory_space<semaphore_mem>>) src(%dma_wait3A_84 : memref<16x144xf32, #tpu.memory_space<vmem>>) dst(%dma_wait3A_89 : memref<10000x144xf32, #tpu.memory_space<vmem_shared>>)
      tpu.yield
    }) : () -> ()
    %barrier3A_69 = arith.constant 0 : index
    tpu.barrier barrier_id(%barrier3A_69)
    %mul3A_70 = arith.constant 625 : i32
    %mul3A_71 = arith.muli %arg1, %mul3A_70 : i32
    %mul3A_72 = arith.constant 625 : i32
    %mul3A_73 = arith.muli %arg1, %mul3A_72 : i32
    "tpu.region"() ({
      %run_scoped3A = tpu.sem_alloc : memref<!tpu.dma_semaphore, #tpu.memory_space<semaphore_mem>>
      %dma_start3A_74 = arith.constant 0 : i32
      %dma_start3A_75 = tpu.memref_slice %arg8[%arg0, %mul3A_73, %dma_start3A_74] : memref<2x10000x144xf32, #tpu.memory_space<hbm>> -> memref<1x625x144xf32, #tpu.memory_space<hbm>>
      %dma_start3A_76 = tpu.memref_squeeze %dma_start3A_75 : memref<1x625x144xf32, #tpu.memory_space<hbm>> -> memref<625x144xf32, #tpu.memory_space<hbm>>
      %dma_start3A_77 = arith.constant 0 : i32
      %dma_start3A_78 = tpu.memref_slice %arg16[%mul3A_71, %dma_start3A_77] : memref<10000x144xf32, #tpu.memory_space<vmem_shared>> -> memref<625x144xf32, #tpu.memory_space<vmem_shared>>
      tpu.enqueue_dma source(%dma_start3A_78 : memref<625x144xf32, #tpu.memory_space<vmem_shared>>) target(%dma_start3A_76 : memref<625x144xf32, #tpu.memory_space<hbm>>) target_semaphore(%run_scoped3A : memref<!tpu.dma_semaphore, #tpu.memory_space<semaphore_mem>>)
      %dma_wait3A_79 = arith.constant 0 : i32
      %dma_wait3A_80 = tpu.memref_slice %arg8[%arg0, %mul3A_73, %dma_wait3A_79] : memref<2x10000x144xf32, #tpu.memory_space<hbm>> -> memref<1x625x144xf32, #tpu.memory_space<hbm>>
      %dma_wait3A_81 = tpu.memref_squeeze %dma_wait3A_80 : memref<1x625x144xf32, #tpu.memory_space<hbm>> -> memref<625x144xf32, #tpu.memory_space<hbm>>
      %dma_wait3A_82 = arith.constant 0 : i32
      %dma_wait3A_83 = tpu.memref_slice %arg16[%mul3A_71, %dma_wait3A_82] : memref<10000x144xf32, #tpu.memory_space<vmem_shared>> -> memref<625x144xf32, #tpu.memory_space<vmem_shared>>
      tpu.wait_dma2 semaphore(%run_scoped3A : memref<!tpu.dma_semaphore, #tpu.memory_space<semaphore_mem>>) src(%dma_wait3A_83 : memref<625x144xf32, #tpu.memory_space<vmem_shared>>) dst(%dma_wait3A_81 : memref<625x144xf32, #tpu.memory_space<hbm>>)
      tpu.yield
    }) : () -> ()
    return
  }
}

module attributes {stable_mosaic.version = 14 : i64} {
  func.func @_tc_finish_body(%arg0: memref<2x10000x144xf32, #tpu.memory_space<vmem>>, %arg1: memref<128x128xf32, #tpu.memory_space<vmem>>, %arg2: memref<10000x128xf32, #tpu.memory_space<vmem>>) attributes {dimension_semantics = [], scalar_prefetch = 0 : i64, scratch_operands = 0 : i64, tpu.core_type = #tpu.core_type<tc>} {
    %get3A = arith.constant 0 : index
    %get3A_0 = arith.constant 0 : index
    %get3A_1 = arith.constant 0 : index
    %get3A_2 = vector.load %arg0[%get3A, %get3A_0, %get3A_1] : memref<2x10000x144xf32, #tpu.memory_space<vmem>>, vector<1x10000x144xf32>
    %get3A_3 = vector.shape_cast %get3A_2 : vector<1x10000x144xf32> to vector<10000x144xf32>
    %get3A_4 = arith.constant 1 : index
    %get3A_5 = arith.constant 0 : index
    %get3A_6 = arith.constant 0 : index
    %get3A_7 = vector.load %arg0[%get3A_4, %get3A_5, %get3A_6] : memref<2x10000x144xf32, #tpu.memory_space<vmem>>, vector<1x10000x144xf32>
    %get3A_8 = vector.shape_cast %get3A_7 : vector<1x10000x144xf32> to vector<10000x144xf32>
    %add3A = arith.addf %get3A_3, %get3A_8 : vector<10000x144xf32>
    %slice3A = vector.extract_strided_slice %add3A {offsets = [0, 0], sizes = [10000, 128], strides = [1, 1]} : vector<10000x144xf32> to vector<10000x128xf32>
    %slice3A_9 = vector.extract_strided_slice %add3A {offsets = [0, 128], sizes = [10000, 1], strides = [1, 1]} : vector<10000x144xf32> to vector<10000x1xf32>
    %add3A_10 = arith.constant 1.000000e-16 : f32
    %add3A_11 = vector.broadcast %add3A_10 : f32 to vector<10000x1xf32>
    %add3A_12 = arith.addf %slice3A_9, %add3A_11 : vector<10000x1xf32>
    %div3A = vector.broadcast %add3A_12 : vector<10000x1xf32> to vector<10000x128xf32>
    %div3A_13 = arith.divf %slice3A, %div3A : vector<10000x128xf32>
    %get3A_14 = arith.constant 0 : index
    %get3A_15 = arith.constant 0 : index
    %get3A_16 = vector.load %arg1[%get3A_14, %get3A_15] : memref<128x128xf32, #tpu.memory_space<vmem>>, vector<128x128xf32>
    %dot_general3A = arith.constant dense<0.000000e+00> : vector<10000x128xf32>
    %dot_general3A_17 = tpu.matmul %div3A_13, %get3A_16, %dot_general3A {dimension_numbers = #tpu.dot_dimension_numbers<[1], [0], [0], [1], [0, 0, 1, 1], [], []>, transpose_lhs_hint = false} : vector<10000x128xf32>, vector<128x128xf32>, vector<10000x128xf32> -> vector<10000x128xf32>
    %tanh3A = math.tanh %dot_general3A_17 : vector<10000x128xf32>
    %swap3A = arith.constant 0 : index
    %swap3A_18 = arith.constant 0 : index
    %swap3A_19 = vector.load %arg2[%swap3A, %swap3A_18] : memref<10000x128xf32, #tpu.memory_space<vmem>>, vector<10000x128xf32>
    tpu.vector_store %arg2[%swap3A, %swap3A_18], %tanh3A {strides = array<i32>} : memref<10000x128xf32, #tpu.memory_space<vmem>>, vector<10000x128xf32>,
    return
  }
}

</mosaic_0001>

<sc_bundles>
// kernel: kernel.4.cloned.1.call-start
scs
__scs_entry_jumppad:
0x0: {  	(pc) =	sbr.rel $0x88, $3  }
0x1: {  	(tag) =	ssettag $0x0;
	lr =	simm.s32 $0x1  }
0x2: {  	[smem:$0x3F9C] =	sst lr;
	_ =	strace $0xD0000000  }
0x3: {  	_ = 	snop  }
0x4: {  	_ = 	snop  }
0x5: {  	_ = 	snop  }
0x6: {  	_ = 	snop  }
0x7: {  	_ = 	snop  }
__scs_overlays_trampoline_lowered:
0x8: {  	[smem:$0x3FAB] =	sst s0  }
0x9: {  	[smem:$0x3FAC] =	sst s1  }
0xa: {  	[smem:$0x3FAD] =	sst s2  }
0xb: {  	[smem:$0x3FAE] =	sst s3  }
0xc: {  	[smem:$0x3FAF] =	sst s4  }
0xd: {  	[smem:$0x3FB0] =	sst s5  }
0xe: {  	[smem:$0x3FB1] =	sst s6  }
0xf: {  	[smem:$0x3FB2] =	sst s7  }
0x10: {  	[smem:$0x3FB3] =	sst s8  }
0x11: {  	[smem:$0x3FB4] =	sst s9;
	s0 =	simm.s32 @!p0 $0x0  }
0x12: {  	s1 =	sld [smem:$0x3F9A];
	s0 =	simm.s32 @p0 $0x1  }
0x13: {  	[smem:$0x3FB5] =	sst s0;
	s0 =	simm.s32 @!p1 $0x0  }
0x14: {  	s2 =	sld [smem:$0x3F99];
	s0 =	simm.s32 @p1 $0x1  }
0x15: {  	[smem:$0x3FB6] =	sst s0;
	s0 =	simm.s32 @!p2 $0x0  }
0x16: {  	s3 =	sld [smem:$0x3FDB];
	s0 =	simm.s32 @p2 $0x1  }
0x17: {  	s4 =	simm.s32 $0x1BF5;
	[smem:$0x3FB8] =	sst s0  }
0x18: {  	s0 =	sld [smem:$0x3F9B];
	_ =	swait.ge [sflag:s4], $0x0  }
0x19: {  	s7 =	sld [smem:$0x3F9C]  }
0x1a: {  	s8 =	sadd.s32 $0xFFFFE003, lr  }
0x1b: {  	s9 =	sadd.s32 $0xFFFFFEF7, lr;
	s5 =	simm.s32 $0xFFFFFFFF;
	p2 =	slt.u32 s8, $0xFFFFF086  }
0x1c: {  	p1 =	slt.u32 s9, $0xF7A;
	s5 =	simm.s32 @!p2 $0x0  }
0x1d: {  	s5 =	simm.s32 @p1 $0x1;
	p0 =	seq.s32 s7, s2  }
0x1e: {  	s7 =	smul.u32 @!p0 $0xF7A, s2;
	p2 =	seq.s32 @!p0 s5, $0x0  }
0x1f: {  	s9 =	smul.u32 $0xF7A, s1;
	s8 =	simm.s32 @!p0 $0x1BF5;
	p2 =	por !p2, p0  }
0x20: {  	[sflag:s8] =	ssyncset.s32 @!p0 $0xFFFFF086;
	s6 =	sadd.s32 @!p0 s3, s7;
	s7 =	simm.s32 @!p0 $0x108  }
0x21: {  	s3 =	sadd.s32 s3, s9;
	s6 =	sadd.s32 @!p0 $0x88, s6;
	s7 =	simm.s32 @p2 $0x1082  }
0x22: {  	[simem:s7], [sflag:s8] =	dma.local @!p0 [hbm:s6], $0xF7A  }
0x23: {  	s9 =	sor.u32 $0xD0000000, s2;
	s6 =	simm.s32 $0x108;
	_ =	swait.ge @!p0 [sflag:s8], $0x0  }
0x24: {  	s3 =	sadd.s32 $0x88, s3;
	s6 =	simm.s32 @!p1 $0x1082;
	[sflag:s4] =	ssyncset.s32 $0xFFFFF086  }
0x25: {  	[simem:s6], [sflag:s4] =	dma.local [hbm:s3], $0xF7A  }
0x26: {  	[smem:$0x3F9C] =	sst s1;
	(tag) =	ssettag s2;
	_ =	strace s9  }
0x27: {  	s1 =	sld [smem:$0x3FAC]  }
0x28: {  	s2 =	sld [smem:$0x3FAD]  }
0x29: {  	s4 =	sld [smem:$0x3FAF]  }
0x2a: {  	p0 =	seq.s32 s5, $0x0;
	s5 =	sld [smem:$0x3FB0]  }
0x2b: {  	s6 =	sld [smem:$0x3FB1]  }
0x2c: {  	s7 =	sld [smem:$0x3FB2]  }
0x2d: {  	s3 =	simm.s32 $0x108;
	s8 =	sld [smem:$0x3FB3]  }
0x2e: {  	s3 =	simm.s32 @!p0 $0x1082;
	s9 =	sld [smem:$0x3FB4]  }
0x2f: {  	lr =	sadd.s32 s0, s3;
	s0 =	sld [smem:$0x3FAB]  }
0x30: {  	s3 =	sld [smem:$0x3FAE]  }
0x31: {  	[smem:$0x3FB7] =	sst s10  }
0x32: {  	s10 =	sld [smem:$0x3FB5];
	_ =	sdelay $0x3  }
0x33: {  	p0 =	seq.s32 s10, $0x1;
	s10 =	sld [smem:$0x3FB7];
	_ =	sdelay $0x3  }
0x34: {  	[smem:$0x3FB7] =	sst s10  }
0x35: {  	s10 =	sld [smem:$0x3FB6];
	_ =	sdelay $0x3  }
0x36: {  	p1 =	seq.s32 s10, $0x1;
	s10 =	sld [smem:$0x3FB7];
	_ =	sdelay $0x3  }
0x37: {  	[smem:$0x3FB7] =	sst s10  }
0x38: {  	s10 =	sld [smem:$0x3FB8]  }
0x39: {  	_ = 	snop;
	(pc) =	sbr.ind lr, $3  }
0x3a: {  	_ = 	snop  }
0x3b: {  	_ = 	snop  }
0x3c: {  	p2 =	seq.s32 s10, $0x1;
	s10 =	sld [smem:$0x3FB7]  }
0x3d: {  	_ =	shalt  }
0x3e: {  	_ =	shalt  }
0x3f: {  	_ =	shalt  }
0x40: {  	_ =	shalt  }
0x41: {  	_ =	shalt  }
0x42: {  	_ =	shalt  }
0x43: {  	_ =	shalt  }
0x44: {  	_ =	shalt  }
0x45: {  	_ =	shalt  }
0x46: {  	_ =	shalt  }
0x47: {  	_ =	shalt  }
0x48: {  	_ =	shalt  }
0x49: {  	_ =	shalt  }
0x4a: {  	_ =	shalt  }
0x4b: {  	_ =	shalt  }
0x4c: {  	_ =	shalt  }
0x4d: {  	_ =	shalt  }
0x4e: {  	_ =	shalt  }
0x4f: {  	_ =	shalt  }
0x50: {  	_ =	shalt  }
0x51: {  	_ =	shalt  }
0x52: {  	_ =	shalt  }
0x53: {  	_ =	shalt  }
0x54: {  	_ =	shalt  }
0x55: {  	_ =	shalt  }
0x56: {  	_ =	shalt  }
0x57: {  	_ =	shalt  }
0x58: {  	_ =	shalt  }
0x59: {  	_ =	shalt  }
0x5a: {  	_ =	shalt  }
0x5b: {  	_ =	shalt  }
0x5c: {  	_ =	shalt  }
0x5d: {  	_ =	shalt  }
0x5e: {  	_ =	shalt  }
0x5f: {  	_ =	shalt  }
0x60: {  	_ =	shalt  }
0x61: {  	_ =	shalt  }
0x62: {  	_ =	shalt  }
0x63: {  	_ =	shalt  }
0x64: {  	_ =	shalt  }
0x65: {  	_ =	shalt  }
0x66: {  	_ =	shalt  }
0x67: {  	_ =	shalt  }
0x68: {  	_ =	shalt  }
0x69: {  	_ =	shalt  }
0x6a: {  	_ =	shalt  }
0x6b: {  	_ =	shalt  }
0x6c: {  	_ =	shalt  }
0x6d: {  	_ =	shalt  }
0x6e: {  	_ =	shalt  }
0x6f: {  	_ =	shalt  }
0x70: {  	_ =	shalt  }
0x71: {  	_ =	shalt  }
0x72: {  	_ =	shalt  }
0x73: {  	_ =	shalt  }
0x74: {  	_ =	shalt  }
0x75: {  	_ =	shalt  }
0x76: {  	_ =	shalt  }
0x77: {  	_ =	shalt  }
0x78: {  	_ =	shalt  }
0x79: {  	_ =	shalt  }
0x7a: {  	_ =	shalt  }
0x7b: {  	_ =	shalt  }
0x7c: {  	_ =	shalt  }
0x7d: {  	_ =	shalt  }
0x7e: {  	_ =	shalt  }
0x7f: {  	_ =	shalt  }
0x80: {  	_ =	shalt  }
0x81: {  	_ =	shalt  }
0x82: {  	_ =	shalt  }
0x83: {  	_ =	shalt  }
0x84: {  	_ =	shalt  }
0x85: {  	_ =	shalt  }
0x86: {  	_ =	shalt  }
0x87: {  	_ =	shalt  }
.Lfunc_end0:
.L_simem_size_0:
called_computation_lowered:
.L_overlay_start_0:
0x88: {  	s2 =	sld [smem:$0x3FD9]  }
0x89: {  	s3 =	sld [smem:$0x3FFE];
	_ =	sdelay $0x1  }
0x8a: {  	s1 =	srdreg.scid  }
0x8b: {  	s0 =	sand.u32 $0x1, s1  }
0x8c: {  	s17 =	sshll.u32 s0, $0xA;
	s2 =	sadd.s32 s3, s2  }
0x8d: {  	s2 =	sadd.s32 s2, s17  }
0x8e: {  	[smem:$0x3FC3] =	sst s2  }
0x8f: {  	_ = 	snop  }
0x90: {  	s2 =	sld [smem:$0x3FC9]  }
0x91: {  	s18 =	sld [smem:$0x3FC8]  }
0x92: {  	s4 =	sld [smem:$0x3FC6]  }
0x93: {  	s5 =	sld [smem:$0x3FD0];
	(tm) =	ssettm $0x1  }
0x94: {  	s6 =	sld [smem:$0x3FFB];
	_ =	sdelay $0x3  }
0x95: {  	_ =	strace s6  }
0x96: {  	s6 =	sld [smem:$0x3FFC];
	_ =	sdelay $0x3  }
0x97: {  	_ =	strace s6  }
0x98: {  	s6 =	sld [smem:$0x3FFD];
	_ =	sdelay $0x3  }
0x99: {  	_ =	strace s6  }
0x9a: {  	_ =	strace $0x8FFFFFFF  }
0x9b: {  	s19 =	sld [smem:$0x3FDB];
	_ =	sdelay $0x1  }
0x9c: {  	s7 =	simm.s32 $_scs_section_size  }
0x9d: {  	s8 =	simm.s32 $_size__tile_overlayer_lowered;
	s9 =	simm.s32 $_tile_overlayer_lowered  }
0x9e: {  	s22 =	simm.s32 $0x1BFF;
	s21 =	sshll.u32 s9, $0x1;
	s6 =	sadd.s32 s7, s19  }
0x9f: {  	s10 =	simm.s32 $0x0;
	s20 =	sshll.u32 s8, $0x1;
	s8 =	sadd.s32 s21, s6  }
0xa0: {  	[timem:s10], [sflag:s22] =	dma.local [hbm:s8], s20  }
0xa1: {  	_ =	swait.ge [sflag:s22], s20  }
0xa2: {  	s7 =	ssub.s32 $0x0, s20;
	[sflag:s22] =	ssyncset.done $0x0  }
0xa3: {  	[sflag:s22] =	ssyncadd.s32 s7;
	_ =	sdelay $0x1  }
0xa4: {  	s23 =	simm.s32 $0x1B8B  }
0xa5: {  	_ =	swait.ge [sflag:s23], $0x1  }
0xa6: {  	[sflag:s23] =	ssyncset.done $0x0  }
0xa7: {  	s25 =	simm.s32 $0x1B8E;
	s24 =	sld [smem:$0x3FFE];
	[sflag:s23] =	ssyncadd.s32 $0xFFFFFFFF  }
0xa8: {  	s26 =	simm.s32 $execute0_lowered;
	[smem:$0x3FD2] =	sst s25  }
0xa9: {  	s8 =	sshll.u32 s26, $0x1;
	_ =	strace $0x80000046;
	[dreg:$0x1] =	wrdreg $0xFFFFFFFF  }
0xaa: {  	s28 =	simm.s32 $_size_execute0_lowered;
	s6 =	sadd.s32 s6, s8;
	[dreg:$0x0] =	wrdreg $0x0  }
0xab: {  	s8 =	sshll.u32 s28, $0x1;
	[dreg:$0x2] =	wrdreg s6  }
0xac: {  	[dreg:$0x3] =	wrdreg s8  }
0xad: {  	[dreg:$0x4] =	wrdreg $0xC0  }
0xae: {  	_ =	task [dreg:s10], $0x5FFFF  }
0xaf: {  	[dreg:$0x1] =	wrdreg $0xFFFFFFFF  }
0xb0: {  	[dreg:$0x0] =	wrdreg $0x60  }
0xb1: {  	[dreg:$0x2] =	wrdreg s2  }
0xb2: {  	[dreg:$0x3] =	wrdreg s18  }
0xb3: {  	[dreg:$0x4] =	wrdreg s24  }
0xb4: {  	[dreg:$0x5] =	wrdreg s5  }
0xb5: {  	[dreg:$0x6] =	wrdreg s4  }
0xb6: {  	[dreg:$0x7] =	wrdreg $0x84C00  }
0xb7: {  	[dreg:$0x8] =	wrdreg $0x9  }
0xb8: {  	_ =	task.clear_ibuf [dreg:s10], $0x9FFFF;
	_ =	strace $0x90000046  }
0xb9: {  	s29 =	simm.s32 $0x9;
	_ =	strace $0x80000048  }
0xba: {  	_ =	swait.ge [sflag:s29], $0x1  }
0xbb: {  	[sflag:s29] =	ssyncadd.s32 $0xFFFFFFFF  }
0xbc: {  	_ =	strace $0x90000048  }
0xbd: {  	_ =	sfence  }
0xbe: {  	s30 =	sld [smem:$0x0];
	_ =	sdelay $0x2  }
0xbf: {  	s31 =	sshll.u32 s1, $0xD;
	s1 =	sshrl.u32 s1, $0x2  }
0xc0: {  	s3 =	sand.u32 $0x4000, s31;
	s1 =	sadd.s32 s1, s30  }
0xc1: {  	s0 =	sor.u32 s3, s0;
	s1 =	sshll.u32 s1, $0x11  }
0xc2: {  	s0 =	sor.u32 s1, s0  }
0xc3: {  	s0 =	sadd.s32 $0x8F2B, s0  }
0xc4: {  	[sflag:s0] =	ssyncadd.remote.s32 $0x1  }
0xc5: {  	_ =	sfence.sel $0xFFFF  }
0xc6: {  	[dreg:$0x0] =	wrdreg $0xFFFFFFFF;
	(pc) =	sbr.abs _section_cstart, $3  }
0xc7: {  	[dreg:$0x1] =	wrdreg $0xFFFFFFFF  }
0xc8: {  	_ =	task.clear_ibuf [dreg:s10], $0x2FFFF;
	_ =	strace $0x9FFFFFFF  }
0xc9: {  	(tm) =	ssettm $0x7FFFFFFF  }
tec
execute0_lowered:
.L_overlay_start_1:
0x0: {  	(tag) =	ssettag $0x1  }
0x1: {  	s0 =	rddreg [dreg:$0x0]  }
0x2: {  	s1 =	rddreg [dreg:$0x1]  }
0x3: {  	s3 =	rddreg [dreg:$0x2]  }
0x4: {  	s4 =	rddreg [dreg:$0x3]  }
0x5: {  	s6 =	rddreg [dreg:$0x4];
	s5 =	srdreg.scid  }
0x6: {  	s2 =	stileid.u32;
	s7 =	rddreg [dreg:$0x5]  }
0x7: {  	s8 =	simm.s32 $0x0;
	s18 =	simm.s32 $0x2;
	s19 =	simm.s32 $0x40  }
0x8: {  	s20 =	simm.s32 $0x80;
	s21 =	simm.s32 $0xC0;
	s22 =	simm.s32 $0x20C0  }
0x9: {  	s23 =	simm.s32 $0x40C0;
	s24 =	simm.s32 $0x1;
	s25 =	simm.s32 $0x60C0  }
0xa: {  	s26 =	simm.s32 $0x10;
	s5 =	sand.u32 $0x1, s5;
	s11 =	smul.u32 $0x15F90, s2  }
0xb: {  	[smem:$0x7FF] =	sst s8;
	s10 =	sshll.u32 s2, $0x1;
	s9 =	smul.u32 $0x15F900, s5  }
0xc: {  	s31 =	sshll.u32 s2, $0x6;
	s10 =	sor.u32 s5, s10;
	s5 =	ssub.s32 $0x2, s5  }
0xd: {  	_ =	strace $0x80000047;
	s30 =	sshrl.u32 s5, $0x1;
	s9 =	sadd.s32 s11, s9  }
0xe: {  	s17 =	sadd.s32 s11, s7;
	s12 =	sshrl.u32 s9, $0x3;
	s9 =	smul.u32 $0x2710, s10  }
0xf: {  	s5 =	ssub.s32 s5, s30;
	s11 =	sor.u32 $0x1C02, s31;
	s17 =	sshrl.u32 s17, $0x3  }
0x10: {  	s10 =	sadd.s32 $0x9E00, s3;
	s15 =	sadd.s32 s12, s3;
	s13 =	sshrl.u32 s9, $0x3  }
0x11: {  	s16 =	smax.u32 s5, $0x1;
	s15 =	sadd.s32 $0xCA00, s15;
	s14 =	sadd.s32 $0x4E0, s13  }
0x12: {  	vm0 =	vmmov $0x1;
	s12 =	sadd.s32 s3, s14;
	s13 =	sadd.s32 s4, s14;
	s14 =	sadd.s32 s6, s14  }
.LBB2_1:
0x13: {  	[spmem:s17], [sflag:s11] =	dma.local [hbm:s10], $0x2BF2  }
0x14: {  	_ =	swait.ge [sflag:s18], $0x2BF2  }
0x15: {  	[sflag:s18] =	ssyncset.done $0x0  }
0x16: {  	[sflag:s18] =	ssyncadd.s32 $0xFFFFD40E  }
0x17: {  	s28 =	simm.s32 $0x0;
	[bflag:$0x0] =	sbarrier.arrive $0xFFFF  }
.LBB2_2:
0x18: {  	s5 =	sshll.u32 s28, $0x6  }
0x19: {  	s5 =	sadd.s32 s9, s5  }
0x1a: {  	s5 =	sshrl.u32 s5, $0x3  }
0x1b: {  	s30 =	simm.s32 $0x0;
	s29 =	sadd.s32 s3, s5  }
0x1c: {  	[tilespmem:s30], [sflag:$0x2] =	stream.linear.gather [hbm4b:s29+s30], $0x40, $0x38;
	[tilespmem:$0x1E450] =	vst v63  }
0x1d: {  	_ =	swait.ge [sflag:s18], $0x40  }
0x1e: {  	[sflag:s18] =	ssyncset.done $0x0  }
0x1f: {  	s29 =	sadd.s32 s4, s5;
	[sflag:s18] =	ssyncadd.s32 $0xFFFFFFC0  }
0x20: {  	[tilespmem:s19], [sflag:$0x2] =	stream.linear.gather [hbm4b:s29+s30], $0x40, $0x38;
	[tilespmem:$0x1E450] =	vst v63  }
0x21: {  	_ =	swait.ge [sflag:s18], $0x40  }
0x22: {  	[sflag:s18] =	ssyncset.done $0x0  }
0x23: {  	s5 =	sadd.s32 s6, s5;
	[sflag:s18] =	ssyncadd.s32 $0xFFFFFFC0  }
0x24: {  	[tilespmem:s20], [sflag:$0x2] =	stream.linear.gather [hbm4b:s5+s30], $0x40, $0x38;
	[tilespmem:$0x1E450] =	vst v63  }
0x25: {  	_ =	swait.ge [sflag:s18], $0x40  }
0x26: {  	[sflag:s18] =	ssyncset.done $0x0  }
0x27: {  	[sflag:s18] =	ssyncadd.s32 $0xFFFFFFC0  }
0x28: {  	[tilespmem:s21], [sflag:$0x1] =	stream.indirect.gather [hbm4b:s0+s19], $0x80, s30, s19, $0xb8;
	[tilespmem:$0x1E450] =	vst v63  }
0x29: {  	_ = 	snop  }
0x2a: {  	[tilespmem:s22], [sflag:$0x1] =	stream.indirect.gather [hbm4b:s1+s19], $0x80, s20, s19, $0xb8;
	[tilespmem:$0x1E450] =	vst v63  }
0x2b: {  	_ = 	snop  }
0x2c: {  	[tilespmem:s23], [sflag:$0x1] =	stream.indirect.gather [hbm4b:s0+s19], $0x80, s19, s19, $0xb8;
	[tilespmem:$0x1E450] =	vst v63  }
0x2d: {  	_ =	swait.ge [sflag:s24], $0x2000  }
0x2e: {  	[sflag:s24] =	ssyncset.done $0x0  }
0x2f: {  	[sflag:s24] =	ssyncadd.s32 $0xFFFFE000  }
0x30: {  	_ =	swait.ge [sflag:s24], $0x2000  }
0x31: {  	[sflag:s24] =	ssyncset.done $0x0  }
0x32: {  	[sflag:s24] =	ssyncadd.s32 $0xFFFFE000  }
0x33: {  	_ =	swait.ge [sflag:s24], $0x2000  }
0x34: {  	[sflag:s24] =	ssyncset.done $0x0  }
0x35: {  	s5 =	simm.s32 $0x0;
	[sflag:s24] =	ssyncadd.s32 $0xFFFFE000  }
0x36: {  	v0 =	vld [tilespmem:s5+$0xC0]  }
0x37: {  	v1 =	vld [tilespmem:s5+$0x20C0];
	_ =	sdelay $0x4  }
0x38: {  	v0 =	vmul.f32 v1, v0  }
0x39: {  	s29 =	simm.s32 $0x6100  }
0x3a: {  	[tilespmem:s29+$0xFFFFFFC0] =	vst v0  }
0x3b: {  	v1 =	vld [tilespmem:s5+$0xD0]  }
0x3c: {  	v2 =	vld [tilespmem:s5+$0x20D0];
	_ =	sdelay $0x4  }
0x3d: {  	v1 =	vmul.f32 v2, v1;
	_ =	sdelay $0x1  }
0x3e: {  	v2 =	vld [tilespmem:s5+$0x40C0];
	[tilespmem:s29+$0xFFFFFFD0] =	vst v1  }
0x3f: {  	v3 =	vld [tilespmem:s5+$0xE0]  }
0x40: {  	v4 =	vld [tilespmem:s5+$0x20E0];
	_ =	sdelay $0x4  }
0x41: {  	v3 =	vmul.f32 v4, v3;
	_ =	sdelay $0x1  }
0x42: {  	v57 =	vld [tilespmem:s5+$0x40D0];
	[tilespmem:s29+$0xFFFFFFE0] =	vst v3  }
0x43: {  	v5 =	vld [tilespmem:s5+$0xF0]  }
0x44: {  	v6 =	vld [tilespmem:s5+$0x20F0];
	_ =	sdelay $0x4  }
0x45: {  	v5 =	vmul.f32 v6, v5;
	_ =	sdelay $0x1  }
0x46: {  	v58 =	vld [tilespmem:s5+$0x40E0];
	[tilespmem:s29+$0xFFFFFFF0] =	vst v5  }
0x47: {  	v7 =	vld [tilespmem:s5+$0x100]  }
0x48: {  	v8 =	vld [tilespmem:s5+$0x2100];
	_ =	sdelay $0x4  }
0x49: {  	v7 =	vmul.f32 v8, v7;
	_ =	sdelay $0x1  }
0x4a: {  	v59 =	vld [tilespmem:s5+$0x40F0];
	[tilespmem:s29+$0x0] =	vst v7  }
0x4b: {  	v9 =	vld [tilespmem:s5+$0x110]  }
0x4c: {  	v10 =	vld [tilespmem:s5+$0x2110];
	_ =	sdelay $0x4  }
0x4d: {  	v9 =	vmul.f32 v10, v9;
	_ =	sdelay $0x1  }
0x4e: {  	v60 =	vld [tilespmem:s5+$0x4100];
	[tilespmem:s29+$0x10] =	vst v9  }
0x4f: {  	v11 =	vld [tilespmem:s5+$0x120]  }
0x50: {  	v12 =	vld [tilespmem:s5+$0x2120];
	_ =	sdelay $0x4  }
0x51: {  	v11 =	vmul.f32 v12, v11;
	_ =	sdelay $0x1  }
0x52: {  	v61 =	vld [tilespmem:s5+$0x4110];
	[tilespmem:s29+$0x20] =	vst v11  }
0x53: {  	v0 =	vmul.f32 v2, v0;
	v2 =	vld [tilespmem:s5+$0x130]  }
0x54: {  	v13 =	vld [tilespmem:s5+$0x2130]  }
0x55: {  	v0 =	vadd.f32 $0.0e+00, v0;
	v1 =	vmul.f32 v57, v1;
	_ =	sdelay $0x1  }
0x56: {  	v0 =	vadd.f32 v1, v0;
	v3 =	vmul.f32 v58, v3;
	_ =	sdelay $0x1  }
0x57: {  	v0 =	vadd.f32 v3, v0;
	v1 =	vmul.f32 v59, v5;
	v2 =	vmul.f32 v13, v2  }
0x58: {  	v3 =	vld [tilespmem:s5+$0x4120]  }
0x59: {  	v0 =	vadd.f32 v1, v0;
	v62 =	vmul.f32 v60, v7;
	[tilespmem:s29+$0x30] =	vst v2  }
0x5a: {  	v1 =	vld [tilespmem:s5+$0x4130]  }
0x5b: {  	v0 =	vadd.f32 v62, v0;
	v63 =	vmul.f32 v61, v9;
	_ =	sdelay $0x1  }
0x5c: {  	v0 =	vadd.f32 v63, v0;
	v3 =	vmul.f32 v3, v11;
	_ =	sdelay $0x1  }
0x5d: {  	v0 =	vadd.f32 v3, v0;
	v1 =	vmul.f32 v1, v2;
	_ =	sdelay $0x1  }
0x5e: {  	v0 =	vadd.f32 v1, v0;
	_ =	sdelay $0x1  }
0x5f: {  	(xrf2) =	vadd.scan.msk.f32 $0xffff, v0;
	_ =	sdelay $0x9  }
0x60: {  	v0, _, _ =	vpop (xrf2)  }
0x61: {  	v0 =	vmin.f32 v0, $7.500000000e+01  }
0x62: {  	v0 =	vmul.f32 $1.442695020e+00, v0;
	_ =	sdelay $0x1  }
0x63: {  	s31 =	simm.s32 $0x200;
	s30 =	simm.s32 $0x6100;
	v0 =	vbroadcast v0, $0xF  }
.LBB2_3:
0x64: {  	p0 =	sne.s32 s31, $0x7E00  }
0x65: {  	s29 =	sadd.s32 $0x90, s29;
	s5 =	smov.u32 s31;
	s31 =	sadd.s32 $0x200, s31;
	(erf) = vpow2.f32 v0  }
0x66: {  	_ =	sdelay $0x6  }
0x67: {  	s5 =	sshra.s32 s5, $0x2  }
0x68: {  	v0 =	vpop (erf)  }
0x69: {  	[tilespmem:s30+$0x40] =	vst v0;
	s30 =	smov.u32 s29  }
0x6a: {  	v0 =	vld [tilespmem:s5+$0xC0]  }
0x6b: {  	v1 =	vld [tilespmem:s5+$0x20C0];
	_ =	sdelay $0x4  }
0x6c: {  	v0 =	vmul.f32 v1, v0;
	_ =	sdelay $0x1  }
0x6d: {  	[tilespmem:s29+$0xFFFFFFC0] =	vst v0  }
0x6e: {  	v1 =	vld [tilespmem:s5+$0xD0]  }
0x6f: {  	v2 =	vld [tilespmem:s5+$0x20D0];
	_ =	sdelay $0x4  }
0x70: {  	v1 =	vmul.f32 v2, v1  }
0x71: {  	v2 =	vld [tilespmem:s5+$0x40C0]  }
0x72: {  	[tilespmem:s29+$0xFFFFFFD0] =	vst v1  }
0x73: {  	v3 =	vld [tilespmem:s5+$0xE0]  }
0x74: {  	v4 =	vld [tilespmem:s5+$0x20E0];
	_ =	sdelay $0x1  }
0x75: {  	v0 =	vmul.f32 v2, v0;
	_ =	sdelay $0x2  }
0x76: {  	v2 =	vmul.f32 v4, v3  }
0x77: {  	v3 =	vld [tilespmem:s5+$0x40D0]  }
0x78: {  	[tilespmem:s29+$0xFFFFFFE0] =	vst v2  }
0x79: {  	v4 =	vld [tilespmem:s5+$0xF0]  }
0x7a: {  	v5 =	vld [tilespmem:s5+$0x20F0];
	_ =	sdelay $0x1  }
0x7b: {  	v1 =	vmul.f32 v3, v1;
	_ =	sdelay $0x2  }
0x7c: {  	v3 =	vmul.f32 v5, v4  }
0x7d: {  	v4 =	vld [tilespmem:s5+$0x40E0]  }
0x7e: {  	[tilespmem:s29+$0xFFFFFFF0] =	vst v3  }
0x7f: {  	v5 =	vld [tilespmem:s5+$0x100]  }
0x80: {  	v6 =	vld [tilespmem:s5+$0x2100];
	_ =	sdelay $0x1  }
0x81: {  	v2 =	vmul.f32 v4, v2;
	_ =	sdelay $0x2  }
0x82: {  	v4 =	vmul.f32 v6, v5  }
0x83: {  	v5 =	vld [tilespmem:s5+$0x40F0]  }
0x84: {  	[tilespmem:s29+$0x0] =	vst v4  }
0x85: {  	v6 =	vld [tilespmem:s5+$0x110]  }
0x86: {  	v7 =	vld [tilespmem:s5+$0x2110]  }
0x87: {  	v8 =	vld [tilespmem:s5+$0x4100]  }
0x88: {  	v3 =	vmul.f32 v5, v3;
	_ =	sdelay $0x2  }
0x89: {  	v5 =	vmul.f32 v7, v6  }
0x8a: {  	v4 =	vmul.f32 v8, v4  }
0x8b: {  	[tilespmem:s29+$0x10] =	vst v5  }
0x8c: {  	v6 =	vld [tilespmem:s5+$0x120]  }
0x8d: {  	v7 =	vld [tilespmem:s5+$0x2120]  }
0x8e: {  	v8 =	vld [tilespmem:s5+$0x4110];
	_ =	sdelay $0x3  }
0x8f: {  	v6 =	vmul.f32 v7, v6  }
0x90: {  	v5 =	vmul.f32 v8, v5  }
0x91: {  	[tilespmem:s29+$0x20] =	vst v6  }
0x92: {  	v7 =	vld [tilespmem:s5+$0x130]  }
0x93: {  	v8 =	vld [tilespmem:s5+$0x2130]  }
0x94: {  	v0 =	vadd.f32 $0.0e+00, v0;
	v9 =	vld [tilespmem:s5+$0x4120];
	_ =	sdelay $0x1  }
0x95: {  	v0 =	vadd.f32 v1, v0;
	_ =	sdelay $0x1  }
0x96: {  	v0 =	vadd.f32 v2, v0;
	v1 =	vmul.f32 v8, v7  }
0x97: {  	v2 =	vmul.f32 v9, v6  }
0x98: {  	v0 =	vadd.f32 v3, v0;
	[tilespmem:s29+$0x30] =	vst v1  }
0x99: {  	v3 =	vld [tilespmem:s5+$0x4130]  }
0x9a: {  	v0 =	vadd.f32 v4, v0;
	_ =	sdelay $0x1  }
0x9b: {  	v0 =	vadd.f32 v5, v0;
	_ =	sdelay $0x1  }
0x9c: {  	v0 =	vadd.f32 v2, v0;
	v1 =	vmul.f32 v3, v1;
	_ =	sdelay $0x1  }
0x9d: {  	v0 =	vadd.f32 v1, v0;
	_ =	sdelay $0x1  }
0x9e: {  	(xrf2) =	vadd.scan.msk.f32 $0xffff, v0;
	_ =	sdelay $0x9  }
.Ltmp0:
0x9f: {  	v0, _, _ =	vpop (xrf2);
	(pc) =	sbr.rel @p0 .LBB2_3-.Ltmp0, $3  }
0xa0: {  	v0 =	vmin.f32 v0, $7.500000000e+01  }
0xa1: {  	v0 =	vmul.f32 $1.442695020e+00, v0;
	_ =	sdelay $0x1  }
0xa2: {  	v0 =	vbroadcast v0, $0xF  }
0xa3: {  	_ = 	snop  }
0xa4: {  	(erf) = vpow2.f32 v0;
	_ =	sdelay $0x8  }
0xa5: {  	v0 =	vpop (erf)  }
0xa6: {  	s5 =	simm.s32 $0x0;
	[tilespmem:s30+$0x40] =	vst v0  }
0xa7: {  	v0 =	vld [tilespmem:s5+$0x6140]  }
0xa8: {  	v6 =	vld [tilespmem:s5+$0x60C0]  }
0xa9: {  	v8 =	vld [tilespmem:s5+$0x60D0]  }
0xaa: {  	v5 =	vld [tilespmem:s5+$0x60E0]  }
0xab: {  	v2 =	vld [tilespmem:s5+$0x60F0]  }
0xac: {  	v1 =	vld [tilespmem:s5+$0x6100]  }
0xad: {  	v3 =	vld [tilespmem:s5+$0x6110];
	v9 =	vnsel vm0, $0x0, v0;
	v7 =	vmul.f32 v6, v0  }
0xae: {  	s29 =	simm.s32 $0x240;
	v4 =	vld [tilespmem:s5+$0x6120];
	v6 =	vmul.f32 v8, v0;
	[tilespmem:s5+$0x6140] =	vst v9  }
.LBB2_5:
0xaf: {  	s30 =	sshra.s32 s29, $0x2;
	p0 =	sne.s32 s29, $0x8DC0;
	[tilespmem:s5+$0x60C0] =	vst v7;
	v5 =	vmul.f32 v5, v0;
	v7 =	vld [tilespmem:s5+$0x6130]  }
0xb0: {  	v8 =	vld [tilespmem:s30+$0x6140];
	[tilespmem:s5+$0x60D0] =	vst v6;
	v2 =	vmul.f32 v2, v0  }
0xb1: {  	v6 =	vld [tilespmem:s30+$0x60C0];
	[tilespmem:s5+$0x60E0] =	vst v5;
	v1 =	vmul.f32 v1, v0  }
0xb2: {  	v9 =	vld [tilespmem:s30+$0x60D0];
	[tilespmem:s5+$0x60F0] =	vst v2;
	v3 =	vmul.f32 v3, v0  }
.Ltmp1:
0xb3: {  	v5 =	vld [tilespmem:s30+$0x60E0];
	[tilespmem:s5+$0x6100] =	vst v1;
	v4 =	vmul.f32 v4, v0;
	(pc) =	sbr.rel @p0 .LBB2_5-.Ltmp1, $4  }
0xb4: {  	v2 =	vld [tilespmem:s30+$0x60F0];
	[tilespmem:s5+$0x6110] =	vst v3;
	v10 =	vmul.f32 v7, v0  }
0xb5: {  	v1 =	vld [tilespmem:s30+$0x6100];
	v11 =	vnsel vm0, $0x0, v8;
	[tilespmem:s5+$0x6120] =	vst v4;
	v0 =	vmov v8  }
0xb6: {  	v7 =	vmul.f32 v6, v0;
	v3 =	vld [tilespmem:s30+$0x6110];
	[tilespmem:s5+$0x6130] =	vst v10;
	s5 =	smov.u32 s30  }
0xb7: {  	s29 =	sadd.s32 $0x240, s29;
	v6 =	vmul.f32 v9, v0;
	v4 =	vld [tilespmem:s5+$0x6120];
	[tilespmem:s5+$0x6140] =	vst v11  }
0xb8: {  	[tilespmem:s5+$0x60C0] =	vst v7;
	v5 =	vmul.f32 v5, v0;
	v60 =	vld [tilespmem:s5+$0x6130]  }
0xb9: {  	[tilespmem:s5+$0x60D0] =	vst v6;
	v2 =	vmul.f32 v2, v0  }
0xba: {  	[tilespmem:s5+$0x60E0] =	vst v5;
	v1 =	vmul.f32 v1, v0  }
0xbb: {  	[tilespmem:s5+$0x60F0] =	vst v2;
	v61 =	vmul.f32 v3, v0  }
0xbc: {  	[tilespmem:s5+$0x6100] =	vst v1;
	v62 =	vmul.f32 v4, v0  }
0xbd: {  	s28 =	sadd.s32 $0x1, s28;
	[tilespmem:s5+$0x6110] =	vst v61;
	v63 =	vmul.f32 v60, v0  }
0xbe: {  	p0 =	sne.s32 s28, $0x9C;
	[tilespmem:s5+$0x6120] =	vst v62  }
.Ltmp2:
0xbf: {  	[tilespmem:s5+$0x6130] =	vst v63;
	(pc) =	sbr.rel @p0 .LBB2_2-.Ltmp2, $4  }
0xc0: {  	[spmem:s7] =	stream.indirect.scatter.add.f32 [tilespmem:s25], [sflag:$0x2], $0x90, s19, s19, $0xb8;
	[tilespmem:$0x1E450] =	vst v63  }
0xc1: {  	_ =	swait.ge [sflag:s18], $0x2400  }
0xc2: {  	[sflag:s18] =	ssyncset.done $0x0  }
0xc3: {  	[sflag:s18] =	ssyncadd.s32 $0xFFFFDC00  }
0xc4: {  	s5 =	simm.s32 $0x0  }
0xc5: {  	[tilespmem:s5], [sflag:$0x2] =	stream.linear.gather [hbm4b:s12+s5], $0x10, $0x38;
	[tilespmem:$0x1E450] =	vst v63  }
0xc6: {  	_ =	swait.ge [sflag:s18], $0x10  }
0xc7: {  	[sflag:s18] =	ssyncset.done $0x0  }
0xc8: {  	[sflag:s18] =	ssyncadd.s32 $0xFFFFFFF0  }
0xc9: {  	[tilespmem:s19], [sflag:$0x2] =	stream.linear.gather [hbm4b:s13+s5], $0x10, $0x38;
	[tilespmem:$0x1E450] =	vst v63  }
0xca: {  	_ =	swait.ge [sflag:s18], $0x10  }
0xcb: {  	[sflag:s18] =	ssyncset.done $0x0  }
0xcc: {  	[sflag:s18] =	ssyncadd.s32 $0xFFFFFFF0  }
0xcd: {  	[tilespmem:s20], [sflag:$0x2] =	stream.linear.gather [hbm4b:s14+s5], $0x10, $0x38;
	[tilespmem:$0x1E450] =	vst v63  }
0xce: {  	_ =	swait.ge [sflag:s18], $0x10  }
0xcf: {  	[sflag:s18] =	ssyncset.done $0x0  }
0xd0: {  	[sflag:s18] =	ssyncadd.s32 $0xFFFFFFF0  }
0xd1: {  	[tilespmem:s21], [sflag:$0x1] =	stream.indirect.gather [hbm4b:s0+s26], $0x80, s5, s26, $0xb8;
	[tilespmem:$0x1E450] =	vst v63  }
0xd2: {  	_ = 	snop  }
0xd3: {  	[tilespmem:s22], [sflag:$0x1] =	stream.indirect.gather [hbm4b:s1+s26], $0x80, s20, s26, $0xb8;
	[tilespmem:$0x1E450] =	vst v63  }
0xd4: {  	_ = 	snop  }
0xd5: {  	[tilespmem:s23], [sflag:$0x1] =	stream.indirect.gather [hbm4b:s0+s26], $0x80, s19, s26, $0xb8;
	[tilespmem:$0x1E450] =	vst v63  }
0xd6: {  	_ =	swait.ge [sflag:s24], $0x800  }
0xd7: {  	[sflag:s24] =	ssyncset.done $0x0  }
0xd8: {  	[sflag:s24] =	ssyncadd.s32 $0xFFFFF800  }
0xd9: {  	_ =	swait.ge [sflag:s24], $0x800  }
0xda: {  	[sflag:s24] =	ssyncset.done $0x0  }
0xdb: {  	[sflag:s24] =	ssyncadd.s32 $0xFFFFF800  }
0xdc: {  	_ =	swait.ge [sflag:s24], $0x800  }
0xdd: {  	[sflag:s24] =	ssyncset.done $0x0  }
0xde: {  	s31 =	simm.s32 $0x0;
	[sflag:s24] =	ssyncadd.s32 $0xFFFFF800  }
0xdf: {  	v0 =	vld [tilespmem:s31+$0xC0]  }
0xe0: {  	v1 =	vld [tilespmem:s31+$0x20C0];
	_ =	sdelay $0x4  }
0xe1: {  	v0 =	vmul.f32 v1, v0  }
0xe2: {  	s28 =	simm.s32 $0x6100  }
0xe3: {  	[tilespmem:s28+$0xFFFFFFC0] =	vst v0  }
0xe4: {  	v1 =	vld [tilespmem:s31+$0xD0]  }
0xe5: {  	v2 =	vld [tilespmem:s31+$0x20D0];
	_ =	sdelay $0x4  }
0xe6: {  	v1 =	vmul.f32 v2, v1;
	_ =	sdelay $0x1  }
0xe7: {  	v2 =	vld [tilespmem:s31+$0x40C0];
	[tilespmem:s28+$0xFFFFFFD0] =	vst v1  }
0xe8: {  	v3 =	vld [tilespmem:s31+$0xE0]  }
0xe9: {  	v4 =	vld [tilespmem:s31+$0x20E0];
	_ =	sdelay $0x4  }
0xea: {  	v3 =	vmul.f32 v4, v3;
	_ =	sdelay $0x1  }
0xeb: {  	v57 =	vld [tilespmem:s31+$0x40D0];
	[tilespmem:s28+$0xFFFFFFE0] =	vst v3  }
0xec: {  	v5 =	vld [tilespmem:s31+$0xF0]  }
0xed: {  	v6 =	vld [tilespmem:s31+$0x20F0];
	_ =	sdelay $0x4  }
0xee: {  	v5 =	vmul.f32 v6, v5;
	_ =	sdelay $0x1  }
0xef: {  	v58 =	vld [tilespmem:s31+$0x40E0];
	[tilespmem:s28+$0xFFFFFFF0] =	vst v5  }
0xf0: {  	v7 =	vld [tilespmem:s31+$0x100]  }
0xf1: {  	v8 =	vld [tilespmem:s31+$0x2100];
	_ =	sdelay $0x4  }
0xf2: {  	v7 =	vmul.f32 v8, v7;
	_ =	sdelay $0x1  }
0xf3: {  	v59 =	vld [tilespmem:s31+$0x40F0];
	[tilespmem:s28+$0x0] =	vst v7  }
0xf4: {  	v9 =	vld [tilespmem:s31+$0x110]  }
0xf5: {  	v10 =	vld [tilespmem:s31+$0x2110];
	_ =	sdelay $0x4  }
0xf6: {  	v9 =	vmul.f32 v10, v9;
	_ =	sdelay $0x1  }
0xf7: {  	v60 =	vld [tilespmem:s31+$0x4100];
	[tilespmem:s28+$0x10] =	vst v9  }
0xf8: {  	v11 =	vld [tilespmem:s31+$0x120]  }
0xf9: {  	v12 =	vld [tilespmem:s31+$0x2120];
	_ =	sdelay $0x4  }
0xfa: {  	v11 =	vmul.f32 v12, v11;
	_ =	sdelay $0x1  }
0xfb: {  	v61 =	vld [tilespmem:s31+$0x4110];
	[tilespmem:s28+$0x20] =	vst v11  }
0xfc: {  	v0 =	vmul.f32 v2, v0;
	v2 =	vld [tilespmem:s31+$0x130]  }
0xfd: {  	v13 =	vld [tilespmem:s31+$0x2130]  }
0xfe: {  	v0 =	vadd.f32 $0.0e+00, v0;
	v1 =	vmul.f32 v57, v1;
	_ =	sdelay $0x1  }
0xff: {  	v0 =	vadd.f32 v1, v0;
	v3 =	vmul.f32 v58, v3;
	_ =	sdelay $0x1  }
0x100: {  	v0 =	vadd.f32 v3, v0;
	v1 =	vmul.f32 v59, v5;
	v2 =	vmul.f32 v13, v2  }
0x101: {  	v3 =	vld [tilespmem:s31+$0x4120]  }
0x102: {  	v0 =	vadd.f32 v1, v0;
	v62 =	vmul.f32 v60, v7;
	[tilespmem:s28+$0x30] =	vst v2  }
0x103: {  	v1 =	vld [tilespmem:s31+$0x4130]  }
0x104: {  	v0 =	vadd.f32 v62, v0;
	v63 =	vmul.f32 v61, v9;
	_ =	sdelay $0x1  }
0x105: {  	v0 =	vadd.f32 v63, v0;
	v3 =	vmul.f32 v3, v11;
	_ =	sdelay $0x1  }
0x106: {  	v0 =	vadd.f32 v3, v0;
	v1 =	vmul.f32 v1, v2;
	_ =	sdelay $0x1  }
0x107: {  	v0 =	vadd.f32 v1, v0;
	_ =	sdelay $0x1  }
0x108: {  	(xrf2) =	vadd.scan.msk.f32 $0xffff, v0;
	_ =	sdelay $0x9  }
0x109: {  	v0, _, _ =	vpop (xrf2)  }
0x10a: {  	v0 =	vmin.f32 v0, $7.500000000e+01  }
0x10b: {  	v0 =	vmul.f32 $1.442695020e+00, v0;
	_ =	sdelay $0x1  }
0x10c: {  	s30 =	simm.s32 $0x200;
	s29 =	simm.s32 $0x6100;
	v0 =	vbroadcast v0, $0xF  }
.LBB2_8:
0x10d: {  	p0 =	sne.s32 s30, $0x1E00  }
0x10e: {  	s28 =	sadd.s32 $0x90, s28;
	s5 =	smov.u32 s30;
	s30 =	sadd.s32 $0x200, s30;
	(erf) = vpow2.f32 v0  }
0x10f: {  	_ =	sdelay $0x6  }
0x110: {  	s5 =	sshra.s32 s5, $0x2  }
0x111: {  	v0 =	vpop (erf)  }
0x112: {  	[tilespmem:s29+$0x40] =	vst v0;
	s29 =	smov.u32 s28  }
0x113: {  	v0 =	vld [tilespmem:s5+$0xC0]  }
0x114: {  	v1 =	vld [tilespmem:s5+$0x20C0];
	_ =	sdelay $0x4  }
0x115: {  	v0 =	vmul.f32 v1, v0;
	_ =	sdelay $0x1  }
0x116: {  	[tilespmem:s28+$0xFFFFFFC0] =	vst v0  }
0x117: {  	v1 =	vld [tilespmem:s5+$0xD0]  }
0x118: {  	v2 =	vld [tilespmem:s5+$0x20D0];
	_ =	sdelay $0x4  }
0x119: {  	v1 =	vmul.f32 v2, v1  }
0x11a: {  	v2 =	vld [tilespmem:s5+$0x40C0]  }
0x11b: {  	[tilespmem:s28+$0xFFFFFFD0] =	vst v1  }
0x11c: {  	v3 =	vld [tilespmem:s5+$0xE0]  }
0x11d: {  	v4 =	vld [tilespmem:s5+$0x20E0];
	_ =	sdelay $0x1  }
0x11e: {  	v0 =	vmul.f32 v2, v0;
	_ =	sdelay $0x2  }
0x11f: {  	v2 =	vmul.f32 v4, v3  }
0x120: {  	v3 =	vld [tilespmem:s5+$0x40D0]  }
0x121: {  	[tilespmem:s28+$0xFFFFFFE0] =	vst v2  }
0x122: {  	v4 =	vld [tilespmem:s5+$0xF0]  }
0x123: {  	v5 =	vld [tilespmem:s5+$0x20F0];
	_ =	sdelay $0x1  }
0x124: {  	v1 =	vmul.f32 v3, v1;
	_ =	sdelay $0x2  }
0x125: {  	v3 =	vmul.f32 v5, v4  }
0x126: {  	v4 =	vld [tilespmem:s5+$0x40E0]  }
0x127: {  	[tilespmem:s28+$0xFFFFFFF0] =	vst v3  }
0x128: {  	v5 =	vld [tilespmem:s5+$0x100]  }
0x129: {  	v6 =	vld [tilespmem:s5+$0x2100];
	_ =	sdelay $0x1  }
0x12a: {  	v2 =	vmul.f32 v4, v2;
	_ =	sdelay $0x2  }
0x12b: {  	v4 =	vmul.f32 v6, v5  }
0x12c: {  	v5 =	vld [tilespmem:s5+$0x40F0]  }
0x12d: {  	[tilespmem:s28+$0x0] =	vst v4  }
0x12e: {  	v6 =	vld [tilespmem:s5+$0x110]  }
0x12f: {  	v7 =	vld [tilespmem:s5+$0x2110]  }
0x130: {  	v8 =	vld [tilespmem:s5+$0x4100]  }
0x131: {  	v3 =	vmul.f32 v5, v3;
	_ =	sdelay $0x2  }
0x132: {  	v5 =	vmul.f32 v7, v6  }
0x133: {  	v4 =	vmul.f32 v8, v4  }
0x134: {  	[tilespmem:s28+$0x10] =	vst v5  }
0x135: {  	v6 =	vld [tilespmem:s5+$0x120]  }
0x136: {  	v7 =	vld [tilespmem:s5+$0x2120]  }
0x137: {  	v8 =	vld [tilespmem:s5+$0x4110];
	_ =	sdelay $0x3  }
0x138: {  	v6 =	vmul.f32 v7, v6  }
0x139: {  	v5 =	vmul.f32 v8, v5  }
0x13a: {  	[tilespmem:s28+$0x20] =	vst v6  }
0x13b: {  	v7 =	vld [tilespmem:s5+$0x130]  }
0x13c: {  	v8 =	vld [tilespmem:s5+$0x2130]  }
0x13d: {  	v0 =	vadd.f32 $0.0e+00, v0;
	v9 =	vld [tilespmem:s5+$0x4120];
	_ =	sdelay $0x1  }
0x13e: {  	v0 =	vadd.f32 v1, v0;
	_ =	sdelay $0x1  }
0x13f: {  	v0 =	vadd.f32 v2, v0;
	v1 =	vmul.f32 v8, v7  }
0x140: {  	v2 =	vmul.f32 v9, v6  }
0x141: {  	v0 =	vadd.f32 v3, v0;
	[tilespmem:s28+$0x30] =	vst v1  }
0x142: {  	v3 =	vld [tilespmem:s5+$0x4130]  }
0x143: {  	v0 =	vadd.f32 v4, v0;
	_ =	sdelay $0x1  }
0x144: {  	v0 =	vadd.f32 v5, v0;
	_ =	sdelay $0x1  }
0x145: {  	v0 =	vadd.f32 v2, v0;
	v1 =	vmul.f32 v3, v1;
	_ =	sdelay $0x1  }
0x146: {  	v0 =	vadd.f32 v1, v0;
	_ =	sdelay $0x1  }
0x147: {  	(xrf2) =	vadd.scan.msk.f32 $0xffff, v0;
	_ =	sdelay $0x9  }
.Ltmp3:
0x148: {  	v0, _, _ =	vpop (xrf2);
	(pc) =	sbr.rel @p0 .LBB2_8-.Ltmp3, $3  }
0x149: {  	v0 =	vmin.f32 v0, $7.500000000e+01  }
0x14a: {  	v0 =	vmul.f32 $1.442695020e+00, v0;
	_ =	sdelay $0x1  }
0x14b: {  	v0 =	vbroadcast v0, $0xF  }
0x14c: {  	_ = 	snop  }
0x14d: {  	(erf) = vpow2.f32 v0;
	_ =	sdelay $0x8  }
0x14e: {  	v0 =	vpop (erf)  }
0x14f: {  	s5 =	simm.s32 $0x0;
	[tilespmem:s29+$0x40] =	vst v0  }
0x150: {  	v0 =	vld [tilespmem:s5+$0x6140]  }
0x151: {  	v6 =	vld [tilespmem:s5+$0x60C0]  }
0x152: {  	v8 =	vld [tilespmem:s5+$0x60D0]  }
0x153: {  	v5 =	vld [tilespmem:s5+$0x60E0]  }
0x154: {  	v2 =	vld [tilespmem:s5+$0x60F0]  }
0x155: {  	v1 =	vld [tilespmem:s5+$0x6100]  }
0x156: {  	v3 =	vld [tilespmem:s5+$0x6110];
	v9 =	vnsel vm0, $0x0, v0;
	v7 =	vmul.f32 v6, v0  }
0x157: {  	s28 =	simm.s32 $0x240;
	v4 =	vld [tilespmem:s5+$0x6120];
	v6 =	vmul.f32 v8, v0;
	[tilespmem:s5+$0x6140] =	vst v9  }
.LBB2_10:
0x158: {  	s29 =	sshra.s32 s28, $0x2;
	p0 =	sne.s32 s28, $0x21C0;
	[tilespmem:s5+$0x60C0] =	vst v7;
	v5 =	vmul.f32 v5, v0;
	v7 =	vld [tilespmem:s5+$0x6130]  }
0x159: {  	v8 =	vld [tilespmem:s29+$0x6140];
	[tilespmem:s5+$0x60D0] =	vst v6;
	v2 =	vmul.f32 v2, v0  }
0x15a: {  	v6 =	vld [tilespmem:s29+$0x60C0];
	[tilespmem:s5+$0x60E0] =	vst v5;
	v1 =	vmul.f32 v1, v0  }
0x15b: {  	v9 =	vld [tilespmem:s29+$0x60D0];
	[tilespmem:s5+$0x60F0] =	vst v2;
	v3 =	vmul.f32 v3, v0  }
.Ltmp4:
0x15c: {  	v5 =	vld [tilespmem:s29+$0x60E0];
	[tilespmem:s5+$0x6100] =	vst v1;
	v4 =	vmul.f32 v4, v0;
	(pc) =	sbr.rel @p0 .LBB2_10-.Ltmp4, $4  }
0x15d: {  	v2 =	vld [tilespmem:s29+$0x60F0];
	[tilespmem:s5+$0x6110] =	vst v3;
	v10 =	vmul.f32 v7, v0  }
0x15e: {  	v1 =	vld [tilespmem:s29+$0x6100];
	v11 =	vnsel vm0, $0x0, v8;
	[tilespmem:s5+$0x6120] =	vst v4;
	v0 =	vmov v8  }
0x15f: {  	v7 =	vmul.f32 v6, v0;
	v3 =	vld [tilespmem:s29+$0x6110];
	[tilespmem:s5+$0x6130] =	vst v10;
	s5 =	smov.u32 s29  }
0x160: {  	s28 =	sadd.s32 $0x240, s28;
	v6 =	vmul.f32 v9, v0;
	v4 =	vld [tilespmem:s5+$0x6120];
	[tilespmem:s5+$0x6140] =	vst v11  }
0x161: {  	[tilespmem:s5+$0x60C0] =	vst v7;
	v5 =	vmul.f32 v5, v0;
	v60 =	vld [tilespmem:s5+$0x6130]  }
0x162: {  	[tilespmem:s5+$0x60D0] =	vst v6;
	v2 =	vmul.f32 v2, v0  }
0x163: {  	[tilespmem:s5+$0x60E0] =	vst v5;
	v1 =	vmul.f32 v1, v0  }
0x164: {  	[tilespmem:s5+$0x60F0] =	vst v2;
	v61 =	vmul.f32 v3, v0  }
0x165: {  	[tilespmem:s5+$0x6100] =	vst v1;
	v62 =	vmul.f32 v4, v0  }
0x166: {  	[tilespmem:s5+$0x6110] =	vst v61;
	v63 =	vmul.f32 v60, v0  }
0x167: {  	[tilespmem:s5+$0x6120] =	vst v62  }
0x168: {  	[tilespmem:s5+$0x6130] =	vst v63  }
0x169: {  	[spmem:s7] =	stream.indirect.scatter.add.f32 [tilespmem:s25], [sflag:$0x2], $0x90, s19, s26, $0xb8;
	[tilespmem:$0x1E450] =	vst v63  }
0x16a: {  	_ =	swait.ge [sflag:s18], $0x900  }
0x16b: {  	s8 =	sadd.s32 $0x1, s8;
	[sflag:s18] =	ssyncset.done $0x0  }
0x16c: {  	p0 =	sne.s32 s8, s16;
	[sflag:s18] =	ssyncadd.s32 $0xFFFFF700  }
.Ltmp5:
0x16d: {  	[bflag:$0x0] =	sbarrier.arrive $0xFFFF;
	(pc) =	sbr.rel @p0 .LBB2_1-.Ltmp5, $4  }
0x16e: {  	[hbm:s15], [sflag:s11] =	dma.local [spmem:s17], $0x2BF2  }
0x16f: {  	_ =	swait.ge [sflag:s18], $0x2BF2  }
0x170: {  	[sflag:s18] =	ssyncset.done $0x0  }
0x171: {  	[sflag:s18] =	ssyncadd.s32 $0xFFFFD40E  }
0x172: {  	_ =	sfence.sel $0x180000  }
0x173: {  	[bflag:$0x0] =	sbarrier.arrive $0xFFFF  }
0x174: {  	_ =	strace $0x90000047  }
0x175: {  	[bflag:$0x2] =	sbarrier.arrive $0xFFFF  }
0x176: {  	p0 =	sne.s32 s2, $0x0;
	s0 =	rddreg [dreg:$0x6]  }
0x177: {  	s0 =	sadd.s32 @!p0 $0x100000, s0  }
0x178: {  	[sflag:s0] =	ssyncadd.tile.s32 @!p0 $0x1;
	_ =	shalt  }
.Lfunc_end2:
_tile_overlayer_lowered:
.L_overlay_start_2:
0x179: {  	(tag) =	ssettag $0x2  }
0x17a: {  	s0 =	rddreg [dreg:$0x0];
	s2 =	stileid.u32  }
0x17b: {  	s1 =	rddreg [dreg:$0x1];
	p0 =	sne.s32 s2, $0x0  }
0x17c: {  	s3 =	rddreg [dreg:$0x2];
	[bflag:$0x3] =	sbarrier.arrive $0xFFFF;
	s2 =	simm.s32 @!p0 $0x1C02  }
0x17d: {  	[timem:s3], [sflag:s2] =	dma.local @!p0 [hbm:s0], s1  }
0x17e: {  	s0 =	simm.s32 @!p0 $0x2  }
0x17f: {  	_ =	swait.ge @!p0 [sflag:s0], s1  }
0x180: {  	s1 =	ssub.s32 @!p0 $0x0, s1;
	[sflag:s0] =	ssyncset.done @!p0 $0x0  }
0x181: {  	[sflag:s0] =	ssyncadd.s32 @!p0 s1  }
0x182: {  	[bflag:$0x3] =	sbarrier.arrive $0xFFFF  }
0x183: {  	_ =	shalt  }

</sc_bundles>
